<compile_context>
chip_gen: v7x
topology: tpu7x:2x2x1
jax: 0.10.2.dev20260603
libtpu: 0.0.44.dev20260713+nightly
codegen_flags: <defaults>
</compile_context>

<pallas_src>
import functools

import jax
import jax.numpy as jnp
from jax import lax
from jax.experimental import pallas as pl
from jax.experimental.pallas import tpu as pltpu
from jax.experimental.pallas import tpu_sc as plsc

_B = 4096
_T = 200
_D = 64
_N = _B * _T
_L = 16
_NC = 2
_NS = 16
_NW = _NC * _NS
_PW = _N // _NW
_G = 128
_C = 256
_NB = 4
_Q = _PW // _C
_QG = _C // _G
_IR = _PW // _G


def _make_sc_gather():
    mesh = plsc.VectorSubcoreMesh(core_axis_name="c", subcore_axis_name="s")

    @functools.partial(
        pl.kernel,
        mesh=mesh,
        out_type=jax.ShapeDtypeStruct((_N, _D), jnp.float32),
        scratch_types=[
            pltpu.VMEM((_IR, _G), jnp.int32),
            pltpu.VMEM((_L,), jnp.int32),
        ]
        + [pltpu.VMEM((_C, _D), jnp.float32) for _ in range(_NB)]
        + [pltpu.SemaphoreType.DMA for _ in range(2 * _NB)],
        compiler_params=pltpu.CompilerParams(use_tc_tiling_on_sc=False),
    )
    def body(text_hbm, seqv_hbm, table_hbm, out_hbm, idx_v, seq_v, *bufs):
        rows = list(bufs[:_NB])
        gsem = list(bufs[_NB:2 * _NB])
        wsem = list(bufs[2 * _NB:])
        wid = lax.axis_index("s") * _NC + lax.axis_index("c")
        base_row = wid * _PW

        pltpu.sync_copy(seqv_hbm, seq_v)
        seq = seq_v[...]
        lanes = lax.iota(jnp.int32, _L)

        pltpu.sync_copy(
            text_hbm.at[pl.ds(pl.multiple_of(base_row // _G, 8), _IR)], idx_v
        )

        def adj(r, carry):
            rbase = r * _G
            for i in range(_G // _L):
                v = idx_v[r, pl.ds(i * _L, _L)]
                pos = lax.rem(rbase + i * _L + lanes, _T)
                idx_v[r, pl.ds(i * _L, _L)] = jnp.where(pos < seq, v + 1, 0)
            return carry

        lax.fori_loop(0, _IR, adj, 0)

        def fire(q, b):
            for j in range(_QG):
                pltpu.async_copy(
                    table_hbm.at[idx_v.at[q * _QG + j]],
                    rows[b].at[pl.ds(j * _G, _G)],
                    gsem[b],
                )

        def wait_gathers(b):
            for j in range(_QG):
                pltpu.make_async_copy(
                    table_hbm.at[idx_v.at[0]],
                    rows[b].at[pl.ds(j * _G, _G)],
                    gsem[b],
                ).wait()

        def writeback(q, b):
            row0 = pl.multiple_of(base_row + q * _C, _C)
            pltpu.async_copy(rows[b], out_hbm.at[pl.ds(row0, _C)], wsem[b])

        def wait_writeback(b):
            pltpu.make_async_copy(
                rows[b],
                out_hbm.at[pl.ds(pl.multiple_of(base_row, _C), _C)],
                wsem[b],
            ).wait()

        fire(0, 0)

        def macro(gg, carry):
            for j in range(_NB):
                q = gg * _NB + j
                nb = (j + 1) % _NB

                @pl.when(q + 1 < _Q)
                def _():
                    @pl.when(q + 1 >= _NB)
                    def _():
                        wait_writeback(nb)

                    fire(q + 1, nb)

                wait_gathers(j)
                writeback(q, j)
            return carry

        lax.fori_loop(0, _Q // _NB, macro, 0)
        for b in range(_NB):
            wait_writeback(b)

    return body


_sc_gather = _make_sc_gather()


def kernel(text, seq_len, text_embed):
    text2d = text.reshape(_N // _G, _G)
    seqv = jnp.full((_L,), seq_len, dtype=jnp.int32)
    out = _sc_gather(text2d, seqv, text_embed)
    return out.reshape(_B, _T, _D)

# --- scband reference (transcript-rebuilt; emitter-appended) ---
"""Pipeline reference for scband-text-embedding-22986664968510 (READ-ONLY COPY).

The authoritative reference and input builder live on the scoring server;
editing this copy changes nothing except your own understanding.
"""

import jax, jax.numpy as jnp
import numpy as np

BATCH = 4096
TEXT_LEN = 200
VOCAB = 1000000
DIM = 64

def setup_inputs(seed: int = 0) -> dict:
    key = jax.random.key(seed)
    k1, k2 = jax.random.split(key)
    text = jax.random.randint(k1, (BATCH, TEXT_LEN), 0, VOCAB, dtype=jnp.int32)
    # embedding table has vocab + 1 rows (index 0 reserved for padding after the +1 shift)
    text_embed = jax.random.normal(k2, (VOCAB + 1, DIM), dtype=jnp.float32)
    return {"text": text, "seq_len": TEXT_LEN, "text_embed": text_embed}

def reference(text, seq_len, text_embed):
    # text = text + 1 (shift so that 0 becomes the padding token)
    t = text + 1
    # truncate to seq_len and pad up to seq_len with 0 (padding token):
    # over the static width t.shape[1], positions >= seq_len become padding
    pos = jnp.arange(t.shape[1])
    t = jnp.where(pos < seq_len, t, 0)
    # embedding lookup (gather)
    out = jnp.take(text_embed, t, axis=0)
    return out

if __name__ == "__main__":
    import jax
    _d = setup_inputs()
    print(jax.jit(kernel)(*tuple(_d.values())))

</pallas_src>

<mosaic_0001>
#map = affine_map<(d0, d1) -> (0, 0)>
#map1 = affine_map<(d0, d1) -> (0)>
module attributes {stable_mosaic.version = 14 : i64} {
  func.func @body(%arg0: i32, %arg1: i32, %arg2: memref<6400x128xi32, #tpu.memory_space<hbm>>, %arg3: memref<16xi32, #tpu.memory_space<hbm>>, %arg4: memref<1000001x64xf32, #tpu.memory_space<hbm>>, %arg5: memref<819200x64xf32, #tpu.memory_space<hbm>>, %arg6: memref<200x128xi32, #tpu.memory_space<vmem>>, %arg7: memref<16xi32, #tpu.memory_space<vmem>>, %arg8: memref<256x64xf32, #tpu.memory_space<vmem>>, %arg9: memref<256x64xf32, #tpu.memory_space<vmem>>, %arg10: memref<256x64xf32, #tpu.memory_space<vmem>>, %arg11: memref<256x64xf32, #tpu.memory_space<vmem>>, %arg12: memref<!tpu.dma_semaphore, #tpu.memory_space<semaphore_mem>>, %arg13: memref<!tpu.dma_semaphore, #tpu.memory_space<semaphore_mem>>, %arg14: memref<!tpu.dma_semaphore, #tpu.memory_space<semaphore_mem>>, %arg15: memref<!tpu.dma_semaphore, #tpu.memory_space<semaphore_mem>>, %arg16: memref<!tpu.dma_semaphore, #tpu.memory_space<semaphore_mem>>, %arg17: memref<!tpu.dma_semaphore, #tpu.memory_space<semaphore_mem>>, %arg18: memref<!tpu.dma_semaphore, #tpu.memory_space<semaphore_mem>>, %arg19: memref<!tpu.dma_semaphore, #tpu.memory_space<semaphore_mem>>) attributes {dimension_semantics = [#tpu.dimension_semantics<core_parallel>, #tpu.dimension_semantics<subcore_parallel>], iteration_bounds = array<i64: 2, 16>, scalar_prefetch = 0 : i64, scratch_operands = 14 : i64, tpu.core_type = #tpu.core_type<sc_vector_subcore>, window_params = [{transform_indices = #map}, {transform_indices = #map1}, {transform_indices = #map}, {transform_indices = #map}]} {
    %mul3A = arith.constant 2 : i32
    %mul3A_0 = arith.muli %arg1, %mul3A : i32
    %add3A = arith.addi %mul3A_0, %arg0 : i32
    %mul3A_1 = arith.constant 25600 : i32
    %mul3A_2 = arith.muli %add3A, %mul3A_1 : i32
    "tpu.region"() ({
      %run_scoped3A = tpu.sem_alloc : memref<!tpu.dma_semaphore, #tpu.memory_space<semaphore_mem>>
      tpu.enqueue_dma source(%arg3 : memref<16xi32, #tpu.memory_space<hbm>>) target(%arg7 : memref<16xi32, #tpu.memory_space<vmem>>) target_semaphore(%run_scoped3A : memref<!tpu.dma_semaphore, #tpu.memory_space<semaphore_mem>>)
      tpu.wait_dma2 semaphore(%run_scoped3A : memref<!tpu.dma_semaphore, #tpu.memory_space<semaphore_mem>>) src(%arg3 : memref<16xi32, #tpu.memory_space<hbm>>) dst(%arg7 : memref<16xi32, #tpu.memory_space<vmem>>)
      tpu.yield
    }) : () -> ()
    %get3A = arith.constant 0 : index
    %get3A_3 = tpu.vector_load %arg7[%get3A] {strides = array<i32>} : memref<16xi32, #tpu.memory_space<vmem>>, vector<16xi32>,
    %get3A_4 = vector.shape_cast %get3A_3 : vector<16xi32> to vector<16xi32>
    %iota3A = tpu.iota {dimensions = array<i32: 0>} : vector<16xi32>
    %jit3A = arith.constant 128 : i32
    %div3A = arith.divsi %mul3A_2, %jit3A : i32
    %sign3A = arith.constant 0 : i32
    %sign3A_5 = arith.cmpi sgt, %mul3A_2, %sign3A : i32
    %sign3A_6 = arith.extui %sign3A_5 : i1 to i32
    %sign3A_7 = arith.constant 0 : i32
    %sign3A_8 = arith.cmpi slt, %mul3A_2, %sign3A_7 : i32
    %sign3A_9 = arith.extui %sign3A_8 : i1 to i32
    %sign3A_10 = arith.subi %sign3A_6, %sign3A_9 : i32
    %sign3A_11 = arith.constant 0 : i32
    %sign3A_12 = arith.cmpi sgt, %jit3A, %sign3A_11 : i32
    %sign3A_13 = arith.extui %sign3A_12 : i1 to i32
    %sign3A_14 = arith.constant 0 : i32
    %sign3A_15 = arith.cmpi slt, %jit3A, %sign3A_14 : i32
    %sign3A_16 = arith.extui %sign3A_15 : i1 to i32
    %sign3A_17 = arith.subi %sign3A_13, %sign3A_16 : i32
    %ne3A = arith.cmpi ne, %sign3A_10, %sign3A_17 : i32
    %rem3A = arith.remsi %mul3A_2, %jit3A : i32
    %ne3A_18 = arith.constant 0 : i32
    %ne3A_19 = arith.cmpi ne, %rem3A, %ne3A_18 : i32
    %and3A = arith.andi %ne3A, %ne3A_19 : i1
    %sub3A = arith.constant 1 : i32
    %sub3A_20 = arith.subi %div3A, %sub3A : i32
    %select_n3A = arith.select %and3A, %sub3A_20, %div3A : i32
    %multiple_of3A = tpu.assume_multiple %select_n3A, 8 : i32
    "tpu.region"() ({
      %run_scoped3A = tpu.sem_alloc : memref<!tpu.dma_semaphore, #tpu.memory_space<semaphore_mem>>
      %dma_start3A_70 = arith.constant 0 : i32
      %dma_start3A_71 = tpu.memref_slice %arg2[%multiple_of3A, %dma_start3A_70] : memref<6400x128xi32, #tpu.memory_space<hbm>> -> memref<200x128xi32, #tpu.memory_space<hbm>>
      %dma_start3A_72 = arith.constant 0 : i32
      %dma_start3A_73 = tpu.memref_slice %arg2[%multiple_of3A, %dma_start3A_72] : memref<6400x128xi32, #tpu.memory_space<hbm>> -> memref<200x128xi32, #tpu.memory_space<hbm>>
      tpu.enqueue_dma source(%dma_start3A_73 : memref<200x128xi32, #tpu.memory_space<hbm>>) target(%arg6 : memref<200x128xi32, #tpu.memory_space<vmem>>) target_semaphore(%run_scoped3A : memref<!tpu.dma_semaphore, #tpu.memory_space<semaphore_mem>>)
      %dma_wait3A_74 = arith.constant 0 : i32
      %dma_wait3A_75 = tpu.memref_slice %arg2[%multiple_of3A, %dma_wait3A_74] : memref<6400x128xi32, #tpu.memory_space<hbm>> -> memref<200x128xi32, #tpu.memory_space<hbm>>
      %dma_wait3A_76 = arith.constant 0 : i32
      %dma_wait3A_77 = tpu.memref_slice %arg2[%multiple_of3A, %dma_wait3A_76] : memref<6400x128xi32, #tpu.memory_space<hbm>> -> memref<200x128xi32, #tpu.memory_space<hbm>>
      tpu.wait_dma2 semaphore(%run_scoped3A : memref<!tpu.dma_semaphore, #tpu.memory_space<semaphore_mem>>) src(%dma_wait3A_77 : memref<200x128xi32, #tpu.memory_space<hbm>>) dst(%arg6 : memref<200x128xi32, #tpu.memory_space<vmem>>)
      tpu.yield
    }) : () -> ()
    %scan3A = arith.constant 0 : i32
    %scan3A_21 = arith.constant 0 : i32
    %scan3A_22 = arith.constant 200 : i32
    %scan3A_23 = arith.addi %scan3A_21, %scan3A_22 : i32
    %scan3A_24 = arith.constant 1 : i32
    scf.for %scan3A_70 = %scan3A_21 to %scan3A_23 step %scan3A_24  : i32 {
      %mul3A_71 = arith.constant 128 : i32
      %mul3A_72 = arith.muli %scan3A_70, %mul3A_71 : i32
      %get3A_73 = arith.index_cast %scan3A_70 : i32 to index
      %get3A_74 = arith.constant 0 : index
      %get3A_75 = tpu.vector_load %arg6[%get3A_73, %get3A_74] {strides = array<i32>} : memref<200x128xi32, #tpu.memory_space<vmem>>, vector<1x16xi32>,
      %get3A_76 = vector.shape_cast %get3A_75 : vector<1x16xi32> to vector<16xi32>
      %add3A_77 = arith.constant 0 : i32
      %add3A_78 = arith.addi %mul3A_72, %add3A_77 : i32
      %add3A_79 = vector.broadcast %add3A_78 : i32 to vector<16xi32>
      %add3A_80 = arith.addi %add3A_79, %iota3A : vector<16xi32>
      %rem3A_81 = arith.constant 200 : i32
      %rem3A_82 = vector.broadcast %rem3A_81 : i32 to vector<16xi32>
      %rem3A_83 = arith.remsi %add3A_80, %rem3A_82 : vector<16xi32>
      %lt3A = arith.cmpi slt, %rem3A_83, %get3A_4 : vector<16xi32>
      %add3A_84 = arith.constant 1 : i32
      %add3A_85 = vector.broadcast %add3A_84 : i32 to vector<16xi32>
      %add3A_86 = arith.addi %get3A_76, %add3A_85 : vector<16xi32>
      %jit3A_87 = arith.constant 0 : i32
      %broadcast_in_dim3A = vector.broadcast %jit3A_87 : i32 to vector<16xi32>
      %select_n3A_88 = arith.select %lt3A, %add3A_86, %broadcast_in_dim3A : vector<16xi1>, vector<16xi32>
      %swap3A = arith.index_cast %scan3A_70 : i32 to index
      %swap3A_89 = arith.constant 0 : index
      %swap3A_90 = tpu.vector_load %arg6[%swap3A, %swap3A_89] {strides = array<i32>} : memref<200x128xi32, #tpu.memory_space<vmem>>, vector<1x16xi32>,
      %swap3A_91 = vector.shape_cast %swap3A_90 : vector<1x16xi32> to vector<16xi32>
      %swap3A_92 = vector.shape_cast %select_n3A_88 : vector<16xi32> to vector<1x16xi32>
      tpu.vector_store %arg6[%swap3A, %swap3A_89], %swap3A_92 {strides = array<i32>} : memref<200x128xi32, #tpu.memory_space<vmem>>, vector<1x16xi32>,
      %get3A_93 = arith.index_cast %scan3A_70 : i32 to index
      %get3A_94 = arith.constant 16 : index
      %get3A_95 = tpu.vector_load %arg6[%get3A_93, %get3A_94] {strides = array<i32>} : memref<200x128xi32, #tpu.memory_space<vmem>>, vector<1x16xi32>,
      %get3A_96 = vector.shape_cast %get3A_95 : vector<1x16xi32> to vector<16xi32>
      %add3A_97 = arith.constant 16 : i32
      %add3A_98 = arith.addi %mul3A_72, %add3A_97 : i32
      %add3A_99 = vector.broadcast %add3A_98 : i32 to vector<16xi32>
      %add3A_100 = arith.addi %add3A_99, %iota3A : vector<16xi32>
      %rem3A_101 = arith.constant 200 : i32
      %rem3A_102 = vector.broadcast %rem3A_101 : i32 to vector<16xi32>
      %rem3A_103 = arith.remsi %add3A_100, %rem3A_102 : vector<16xi32>
      %lt3A_104 = arith.cmpi slt, %rem3A_103, %get3A_4 : vector<16xi32>
      %add3A_105 = arith.constant 1 : i32
      %add3A_106 = vector.broadcast %add3A_105 : i32 to vector<16xi32>
      %add3A_107 = arith.addi %get3A_96, %add3A_106 : vector<16xi32>
      %jit3A_108 = arith.constant 0 : i32
      %broadcast_in_dim3A_109 = vector.broadcast %jit3A_108 : i32 to vector<16xi32>
      %select_n3A_110 = arith.select %lt3A_104, %add3A_107, %broadcast_in_dim3A_109 : vector<16xi1>, vector<16xi32>
      %swap3A_111 = arith.index_cast %scan3A_70 : i32 to index
      %swap3A_112 = arith.constant 16 : index
      %swap3A_113 = tpu.vector_load %arg6[%swap3A_111, %swap3A_112] {strides = array<i32>} : memref<200x128xi32, #tpu.memory_space<vmem>>, vector<1x16xi32>,
      %swap3A_114 = vector.shape_cast %swap3A_113 : vector<1x16xi32> to vector<16xi32>
      %swap3A_115 = vector.shape_cast %select_n3A_110 : vector<16xi32> to vector<1x16xi32>
      tpu.vector_store %arg6[%swap3A_111, %swap3A_112], %swap3A_115 {strides = array<i32>} : memref<200x128xi32, #tpu.memory_space<vmem>>, vector<1x16xi32>,
      %get3A_116 = arith.index_cast %scan3A_70 : i32 to index
      %get3A_117 = arith.constant 32 : index
      %get3A_118 = tpu.vector_load %arg6[%get3A_116, %get3A_117] {strides = array<i32>} : memref<200x128xi32, #tpu.memory_space<vmem>>, vector<1x16xi32>,
      %get3A_119 = vector.shape_cast %get3A_118 : vector<1x16xi32> to vector<16xi32>
      %add3A_120 = arith.constant 32 : i32
      %add3A_121 = arith.addi %mul3A_72, %add3A_120 : i32
      %add3A_122 = vector.broadcast %add3A_121 : i32 to vector<16xi32>
      %add3A_123 = arith.addi %add3A_122, %iota3A : vector<16xi32>
      %rem3A_124 = arith.constant 200 : i32
      %rem3A_125 = vector.broadcast %rem3A_124 : i32 to vector<16xi32>
      %rem3A_126 = arith.remsi %add3A_123, %rem3A_125 : vector<16xi32>
      %lt3A_127 = arith.cmpi slt, %rem3A_126, %get3A_4 : vector<16xi32>
      %add3A_128 = arith.constant 1 : i32
      %add3A_129 = vector.broadcast %add3A_128 : i32 to vector<16xi32>
      %add3A_130 = arith.addi %get3A_119, %add3A_129 : vector<16xi32>
      %jit3A_131 = arith.constant 0 : i32
      %broadcast_in_dim3A_132 = vector.broadcast %jit3A_131 : i32 to vector<16xi32>
      %select_n3A_133 = arith.select %lt3A_127, %add3A_130, %broadcast_in_dim3A_132 : vector<16xi1>, vector<16xi32>
      %swap3A_134 = arith.index_cast %scan3A_70 : i32 to index
      %swap3A_135 = arith.constant 32 : index
      %swap3A_136 = tpu.vector_load %arg6[%swap3A_134, %swap3A_135] {strides = array<i32>} : memref<200x128xi32, #tpu.memory_space<vmem>>, vector<1x16xi32>,
      %swap3A_137 = vector.shape_cast %swap3A_136 : vector<1x16xi32> to vector<16xi32>
      %swap3A_138 = vector.shape_cast %select_n3A_133 : vector<16xi32> to vector<1x16xi32>
      tpu.vector_store %arg6[%swap3A_134, %swap3A_135], %swap3A_138 {strides = array<i32>} : memref<200x128xi32, #tpu.memory_space<vmem>>, vector<1x16xi32>,
      %get3A_139 = arith.index_cast %scan3A_70 : i32 to index
      %get3A_140 = arith.constant 48 : index
      %get3A_141 = tpu.vector_load %arg6[%get3A_139, %get3A_140] {strides = array<i32>} : memref<200x128xi32, #tpu.memory_space<vmem>>, vector<1x16xi32>,
      %get3A_142 = vector.shape_cast %get3A_141 : vector<1x16xi32> to vector<16xi32>
      %add3A_143 = arith.constant 48 : i32
      %add3A_144 = arith.addi %mul3A_72, %add3A_143 : i32
      %add3A_145 = vector.broadcast %add3A_144 : i32 to vector<16xi32>
      %add3A_146 = arith.addi %add3A_145, %iota3A : vector<16xi32>
      %rem3A_147 = arith.constant 200 : i32
      %rem3A_148 = vector.broadcast %rem3A_147 : i32 to vector<16xi32>
      %rem3A_149 = arith.remsi %add3A_146, %rem3A_148 : vector<16xi32>
      %lt3A_150 = arith.cmpi slt, %rem3A_149, %get3A_4 : vector<16xi32>
      %add3A_151 = arith.constant 1 : i32
      %add3A_152 = vector.broadcast %add3A_151 : i32 to vector<16xi32>
      %add3A_153 = arith.addi %get3A_142, %add3A_152 : vector<16xi32>
      %jit3A_154 = arith.constant 0 : i32
      %broadcast_in_dim3A_155 = vector.broadcast %jit3A_154 : i32 to vector<16xi32>
      %select_n3A_156 = arith.select %lt3A_150, %add3A_153, %broadcast_in_dim3A_155 : vector<16xi1>, vector<16xi32>
      %swap3A_157 = arith.index_cast %scan3A_70 : i32 to index
      %swap3A_158 = arith.constant 48 : index
      %swap3A_159 = tpu.vector_load %arg6[%swap3A_157, %swap3A_158] {strides = array<i32>} : memref<200x128xi32, #tpu.memory_space<vmem>>, vector<1x16xi32>,
      %swap3A_160 = vector.shape_cast %swap3A_159 : vector<1x16xi32> to vector<16xi32>
      %swap3A_161 = vector.shape_cast %select_n3A_156 : vector<16xi32> to vector<1x16xi32>
      tpu.vector_store %arg6[%swap3A_157, %swap3A_158], %swap3A_161 {strides = array<i32>} : memref<200x128xi32, #tpu.memory_space<vmem>>, vector<1x16xi32>,
      %get3A_162 = arith.index_cast %scan3A_70 : i32 to index
      %get3A_163 = arith.constant 64 : index
      %get3A_164 = tpu.vector_load %arg6[%get3A_162, %get3A_163] {strides = array<i32>} : memref<200x128xi32, #tpu.memory_space<vmem>>, vector<1x16xi32>,
      %get3A_165 = vector.shape_cast %get3A_164 : vector<1x16xi32> to vector<16xi32>
      %add3A_166 = arith.constant 64 : i32
      %add3A_167 = arith.addi %mul3A_72, %add3A_166 : i32
      %add3A_168 = vector.broadcast %add3A_167 : i32 to vector<16xi32>
      %add3A_169 = arith.addi %add3A_168, %iota3A : vector<16xi32>
      %rem3A_170 = arith.constant 200 : i32
      %rem3A_171 = vector.broadcast %rem3A_170 : i32 to vector<16xi32>
      %rem3A_172 = arith.remsi %add3A_169, %rem3A_171 : vector<16xi32>
      %lt3A_173 = arith.cmpi slt, %rem3A_172, %get3A_4 : vector<16xi32>
      %add3A_174 = arith.constant 1 : i32
      %add3A_175 = vector.broadcast %add3A_174 : i32 to vector<16xi32>
      %add3A_176 = arith.addi %get3A_165, %add3A_175 : vector<16xi32>
      %jit3A_177 = arith.constant 0 : i32
      %broadcast_in_dim3A_178 = vector.broadcast %jit3A_177 : i32 to vector<16xi32>
      %select_n3A_179 = arith.select %lt3A_173, %add3A_176, %broadcast_in_dim3A_178 : vector<16xi1>, vector<16xi32>
      %swap3A_180 = arith.index_cast %scan3A_70 : i32 to index
      %swap3A_181 = arith.constant 64 : index
      %swap3A_182 = tpu.vector_load %arg6[%swap3A_180, %swap3A_181] {strides = array<i32>} : memref<200x128xi32, #tpu.memory_space<vmem>>, vector<1x16xi32>,
      %swap3A_183 = vector.shape_cast %swap3A_182 : vector<1x16xi32> to vector<16xi32>
      %swap3A_184 = vector.shape_cast %select_n3A_179 : vector<16xi32> to vector<1x16xi32>
      tpu.vector_store %arg6[%swap3A_180, %swap3A_181], %swap3A_184 {strides = array<i32>} : memref<200x128xi32, #tpu.memory_space<vmem>>, vector<1x16xi32>,
      %get3A_185 = arith.index_cast %scan3A_70 : i32 to index
      %get3A_186 = arith.constant 80 : index
      %get3A_187 = tpu.vector_load %arg6[%get3A_185, %get3A_186] {strides = array<i32>} : memref<200x128xi32, #tpu.memory_space<vmem>>, vector<1x16xi32>,
      %get3A_188 = vector.shape_cast %get3A_187 : vector<1x16xi32> to vector<16xi32>
      %add3A_189 = arith.constant 80 : i32
      %add3A_190 = arith.addi %mul3A_72, %add3A_189 : i32
      %add3A_191 = vector.broadcast %add3A_190 : i32 to vector<16xi32>
      %add3A_192 = arith.addi %add3A_191, %iota3A : vector<16xi32>
      %rem3A_193 = arith.constant 200 : i32
      %rem3A_194 = vector.broadcast %rem3A_193 : i32 to vector<16xi32>
      %rem3A_195 = arith.remsi %add3A_192, %rem3A_194 : vector<16xi32>
      %lt3A_196 = arith.cmpi slt, %rem3A_195, %get3A_4 : vector<16xi32>
      %add3A_197 = arith.constant 1 : i32
      %add3A_198 = vector.broadcast %add3A_197 : i32 to vector<16xi32>
      %add3A_199 = arith.addi %get3A_188, %add3A_198 : vector<16xi32>
      %jit3A_200 = arith.constant 0 : i32
      %broadcast_in_dim3A_201 = vector.broadcast %jit3A_200 : i32 to vector<16xi32>
      %select_n3A_202 = arith.select %lt3A_196, %add3A_199, %broadcast_in_dim3A_201 : vector<16xi1>, vector<16xi32>
      %swap3A_203 = arith.index_cast %scan3A_70 : i32 to index
      %swap3A_204 = arith.constant 80 : index
      %swap3A_205 = tpu.vector_load %arg6[%swap3A_203, %swap3A_204] {strides = array<i32>} : memref<200x128xi32, #tpu.memory_space<vmem>>, vector<1x16xi32>,
      %swap3A_206 = vector.shape_cast %swap3A_205 : vector<1x16xi32> to vector<16xi32>
      %swap3A_207 = vector.shape_cast %select_n3A_202 : vector<16xi32> to vector<1x16xi32>
      tpu.vector_store %arg6[%swap3A_203, %swap3A_204], %swap3A_207 {strides = array<i32>} : memref<200x128xi32, #tpu.memory_space<vmem>>, vector<1x16xi32>,
      %get3A_208 = arith.index_cast %scan3A_70 : i32 to index
      %get3A_209 = arith.constant 96 : index
      %get3A_210 = tpu.vector_load %arg6[%get3A_208, %get3A_209] {strides = array<i32>} : memref<200x128xi32, #tpu.memory_space<vmem>>, vector<1x16xi32>,
      %get3A_211 = vector.shape_cast %get3A_210 : vector<1x16xi32> to vector<16xi32>
      %add3A_212 = arith.constant 96 : i32
      %add3A_213 = arith.addi %mul3A_72, %add3A_212 : i32
      %add3A_214 = vector.broadcast %add3A_213 : i32 to vector<16xi32>
      %add3A_215 = arith.addi %add3A_214, %iota3A : vector<16xi32>
      %rem3A_216 = arith.constant 200 : i32
      %rem3A_217 = vector.broadcast %rem3A_216 : i32 to vector<16xi32>
      %rem3A_218 = arith.remsi %add3A_215, %rem3A_217 : vector<16xi32>
      %lt3A_219 = arith.cmpi slt, %rem3A_218, %get3A_4 : vector<16xi32>
      %add3A_220 = arith.constant 1 : i32
      %add3A_221 = vector.broadcast %add3A_220 : i32 to vector<16xi32>
      %add3A_222 = arith.addi %get3A_211, %add3A_221 : vector<16xi32>
      %jit3A_223 = arith.constant 0 : i32
      %broadcast_in_dim3A_224 = vector.broadcast %jit3A_223 : i32 to vector<16xi32>
      %select_n3A_225 = arith.select %lt3A_219, %add3A_222, %broadcast_in_dim3A_224 : vector<16xi1>, vector<16xi32>
      %swap3A_226 = arith.index_cast %scan3A_70 : i32 to index
      %swap3A_227 = arith.constant 96 : index
      %swap3A_228 = tpu.vector_load %arg6[%swap3A_226, %swap3A_227] {strides = array<i32>} : memref<200x128xi32, #tpu.memory_space<vmem>>, vector<1x16xi32>,
      %swap3A_229 = vector.shape_cast %swap3A_228 : vector<1x16xi32> to vector<16xi32>
      %swap3A_230 = vector.shape_cast %select_n3A_225 : vector<16xi32> to vector<1x16xi32>
      tpu.vector_store %arg6[%swap3A_226, %swap3A_227], %swap3A_230 {strides = array<i32>} : memref<200x128xi32, #tpu.memory_space<vmem>>, vector<1x16xi32>,
      %get3A_231 = arith.index_cast %scan3A_70 : i32 to index
      %get3A_232 = arith.constant 112 : index
      %get3A_233 = tpu.vector_load %arg6[%get3A_231, %get3A_232] {strides = array<i32>} : memref<200x128xi32, #tpu.memory_space<vmem>>, vector<1x16xi32>,
      %get3A_234 = vector.shape_cast %get3A_233 : vector<1x16xi32> to vector<16xi32>
      %add3A_235 = arith.constant 112 : i32
      %add3A_236 = arith.addi %mul3A_72, %add3A_235 : i32
      %add3A_237 = vector.broadcast %add3A_236 : i32 to vector<16xi32>
      %add3A_238 = arith.addi %add3A_237, %iota3A : vector<16xi32>
      %rem3A_239 = arith.constant 200 : i32
      %rem3A_240 = vector.broadcast %rem3A_239 : i32 to vector<16xi32>
      %rem3A_241 = arith.remsi %add3A_238, %rem3A_240 : vector<16xi32>
      %lt3A_242 = arith.cmpi slt, %rem3A_241, %get3A_4 : vector<16xi32>
      %add3A_243 = arith.constant 1 : i32
      %add3A_244 = vector.broadcast %add3A_243 : i32 to vector<16xi32>
      %add3A_245 = arith.addi %get3A_234, %add3A_244 : vector<16xi32>
      %jit3A_246 = arith.constant 0 : i32
      %broadcast_in_dim3A_247 = vector.broadcast %jit3A_246 : i32 to vector<16xi32>
      %select_n3A_248 = arith.select %lt3A_242, %add3A_245, %broadcast_in_dim3A_247 : vector<16xi1>, vector<16xi32>
      %swap3A_249 = arith.index_cast %scan3A_70 : i32 to index
      %swap3A_250 = arith.constant 112 : index
      %swap3A_251 = tpu.vector_load %arg6[%swap3A_249, %swap3A_250] {strides = array<i32>} : memref<200x128xi32, #tpu.memory_space<vmem>>, vector<1x16xi32>,
      %swap3A_252 = vector.shape_cast %swap3A_251 : vector<1x16xi32> to vector<16xi32>
      %swap3A_253 = vector.shape_cast %select_n3A_248 : vector<16xi32> to vector<1x16xi32>
      tpu.vector_store %arg6[%swap3A_249, %swap3A_250], %swap3A_253 {strides = array<i32>} : memref<200x128xi32, #tpu.memory_space<vmem>>, vector<1x16xi32>,
    }
    %scan3A_25 = arith.constant 200 : i32
    %dma_start3A = arith.constant 0 : i32
    %dma_start3A_26 = arith.constant 0 : i32
    %dma_start3A_27 = arith.constant 0 : i32
    %dma_start3A_28 = tpu.memref_slice %arg8[%dma_start3A_26, %dma_start3A_27] : memref<256x64xf32, #tpu.memory_space<vmem>> -> memref<128x64xf32, #tpu.memory_space<vmem>>
    %dma_start3A_29 = arith.constant 0 : i32
    %dma_start3A_30 = tpu.memref_slice %arg6[%dma_start3A, %dma_start3A_29] : memref<200x128xi32, #tpu.memory_space<vmem>> -> memref<1x128xi32, #tpu.memory_space<vmem>>
    %dma_start3A_31 = tpu.memref_squeeze %dma_start3A_30 : memref<1x128xi32, #tpu.memory_space<vmem>> -> memref<128xi32, #tpu.memory_space<vmem>>
    %dma_start3A_32 = arith.constant 0 : i32
    %dma_start3A_33 = arith.constant 0 : i32
    %dma_start3A_34 = tpu.memref_slice %arg4[%dma_start3A_32, %dma_start3A_33] : memref<1000001x64xf32, #tpu.memory_space<hbm>> -> memref<1000001x64xf32, #tpu.memory_space<hbm>>
    tpu.enqueue_indirect_dma source(%dma_start3A_34 : memref<1000001x64xf32, #tpu.memory_space<hbm>>) target(%dma_start3A_28 : memref<128x64xf32, #tpu.memory_space<vmem>>) offsets(%dma_start3A_31 : memref<128xi32, #tpu.memory_space<vmem>>) semaphore(%arg12 : memref<!tpu.dma_semaphore, #tpu.memory_space<semaphore_mem>>)
    %dma_start3A_35 = arith.constant 1 : i32
    %dma_start3A_36 = arith.constant 128 : i32
    %dma_start3A_37 = arith.constant 0 : i32
    %dma_start3A_38 = tpu.memref_slice %arg8[%dma_start3A_36, %dma_start3A_37] : memref<256x64xf32, #tpu.memory_space<vmem>> -> memref<128x64xf32, #tpu.memory_space<vmem>>
    %dma_start3A_39 = arith.constant 0 : i32
    %dma_start3A_40 = tpu.memref_slice %arg6[%dma_start3A_35, %dma_start3A_39] : memref<200x128xi32, #tpu.memory_space<vmem>> -> memref<1x128xi32, #tpu.memory_space<vmem>>
    %dma_start3A_41 = tpu.memref_squeeze %dma_start3A_40 : memref<1x128xi32, #tpu.memory_space<vmem>> -> memref<128xi32, #tpu.memory_space<vmem>>
    %dma_start3A_42 = arith.constant 0 : i32
    %dma_start3A_43 = arith.constant 0 : i32
    %dma_start3A_44 = tpu.memref_slice %arg4[%dma_start3A_42, %dma_start3A_43] : memref<1000001x64xf32, #tpu.memory_space<hbm>> -> memref<1000001x64xf32, #tpu.memory_space<hbm>>
    tpu.enqueue_indirect_dma source(%dma_start3A_44 : memref<1000001x64xf32, #tpu.memory_space<hbm>>) target(%dma_start3A_38 : memref<128x64xf32, #tpu.memory_space<vmem>>) offsets(%dma_start3A_41 : memref<128xi32, #tpu.memory_space<vmem>>) semaphore(%arg12 : memref<!tpu.dma_semaphore, #tpu.memory_space<semaphore_mem>>)
    %scan3A_45 = arith.constant 0 : i32
    %scan3A_46 = arith.constant 0 : i32
    %scan3A_47 = arith.constant 25 : i32
    %scan3A_48 = arith.addi %scan3A_46, %scan3A_47 : i32
    %scan3A_49 = arith.constant 1 : i32
    scf.for %scan3A_70 = %scan3A_46 to %scan3A_48 step %scan3A_49  : i32 {
      %mul3A_71 = arith.constant 4 : i32
      %mul3A_72 = arith.muli %scan3A_70, %mul3A_71 : i32
      %add3A_73 = arith.constant 0 : i32
      %add3A_74 = arith.addi %mul3A_72, %add3A_73 : i32
      %add3A_75 = arith.constant 1 : i32
      %add3A_76 = arith.addi %add3A_74, %add3A_75 : i32
      %lt3A = arith.constant 100 : i32
      %lt3A_77 = arith.cmpi slt, %add3A_76, %lt3A : i32
      %convert_element_type3A = arith.extui %lt3A_77 : i1 to i32
      %cond3A = arith.constant 0 : i32
      %cond3A_78 = arith.cmpi ne, %convert_element_type3A, %cond3A : i32
      scf.if %cond3A_78 {
        %add3A_224 = arith.constant 1 : i32
        %add3A_225 = arith.addi %add3A_74, %add3A_224 : i32
        %ge3A = arith.constant 4 : i32
        %ge3A_226 = arith.cmpi sge, %add3A_225, %ge3A : i32
        %convert_element_type3A_227 = arith.extui %ge3A_226 : i1 to i32
        %cond3A_228 = arith.constant 0 : i32
        %cond3A_229 = arith.cmpi ne, %convert_element_type3A_227, %cond3A_228 : i32
        scf.if %cond3A_229 {
          %multiple_of3A_258 = tpu.assume_multiple %mul3A_2, 256 : i32
          %dma_wait3A_259 = arith.constant 0 : i32
          %dma_wait3A_260 = tpu.memref_slice %arg5[%multiple_of3A_258, %dma_wait3A_259] : memref<819200x64xf32, #tpu.memory_space<hbm>> -> memref<256x64xf32, #tpu.memory_space<hbm>>
          %dma_wait3A_261 = arith.constant 0 : i32
          %dma_wait3A_262 = tpu.memref_slice %arg5[%multiple_of3A_258, %dma_wait3A_261] : memref<819200x64xf32, #tpu.memory_space<hbm>> -> memref<256x64xf32, #tpu.memory_space<hbm>>
          tpu.wait_dma2 semaphore(%arg17 : memref<!tpu.dma_semaphore, #tpu.memory_space<semaphore_mem>>) src(%arg9 : memref<256x64xf32, #tpu.memory_space<vmem>>) dst(%dma_wait3A_262 : memref<256x64xf32, #tpu.memory_space<hbm>>)
        } else {
        }
        %add3A_230 = arith.constant 1 : i32
        %add3A_231 = arith.addi %add3A_74, %add3A_230 : i32
        %mul3A_232 = arith.constant 2 : i32
        %mul3A_233 = arith.muli %add3A_231, %mul3A_232 : i32
        %add3A_234 = arith.constant 0 : i32
        %add3A_235 = arith.addi %mul3A_233, %add3A_234 : i32
        %dma_start3A_236 = arith.constant 0 : i32
        %dma_start3A_237 = arith.constant 0 : i32
        %dma_start3A_238 = tpu.memref_slice %arg9[%dma_start3A_236, %dma_start3A_237] : memref<256x64xf32, #tpu.memory_space<vmem>> -> memref<128x64xf32, #tpu.memory_space<vmem>>
        %dma_start3A_239 = arith.constant 0 : i32
        %dma_start3A_240 = tpu.memref_slice %arg6[%add3A_235, %dma_start3A_239] : memref<200x128xi32, #tpu.memory_space<vmem>> -> memref<1x128xi32, #tpu.memory_space<vmem>>
        %dma_start3A_241 = tpu.memref_squeeze %dma_start3A_240 : memref<1x128xi32, #tpu.memory_space<vmem>> -> memref<128xi32, #tpu.memory_space<vmem>>
        %dma_start3A_242 = arith.constant 0 : i32
        %dma_start3A_243 = arith.constant 0 : i32
        %dma_start3A_244 = tpu.memref_slice %arg4[%dma_start3A_242, %dma_start3A_243] : memref<1000001x64xf32, #tpu.memory_space<hbm>> -> memref<1000001x64xf32, #tpu.memory_space<hbm>>
        tpu.enqueue_indirect_dma source(%dma_start3A_244 : memref<1000001x64xf32, #tpu.memory_space<hbm>>) target(%dma_start3A_238 : memref<128x64xf32, #tpu.memory_space<vmem>>) offsets(%dma_start3A_241 : memref<128xi32, #tpu.memory_space<vmem>>) semaphore(%arg13 : memref<!tpu.dma_semaphore, #tpu.memory_space<semaphore_mem>>)
        %mul3A_245 = arith.constant 2 : i32
        %mul3A_246 = arith.muli %add3A_231, %mul3A_245 : i32
        %add3A_247 = arith.constant 1 : i32
        %add3A_248 = arith.addi %mul3A_246, %add3A_247 : i32
        %dma_start3A_249 = arith.constant 128 : i32
        %dma_start3A_250 = arith.constant 0 : i32
        %dma_start3A_251 = tpu.memref_slice %arg9[%dma_start3A_249, %dma_start3A_250] : memref<256x64xf32, #tpu.memory_space<vmem>> -> memref<128x64xf32, #tpu.memory_space<vmem>>
        %dma_start3A_252 = arith.constant 0 : i32
        %dma_start3A_253 = tpu.memref_slice %arg6[%add3A_248, %dma_start3A_252] : memref<200x128xi32, #tpu.memory_space<vmem>> -> memref<1x128xi32, #tpu.memory_space<vmem>>
        %dma_start3A_254 = tpu.memref_squeeze %dma_start3A_253 : memref<1x128xi32, #tpu.memory_space<vmem>> -> memref<128xi32, #tpu.memory_space<vmem>>
        %dma_start3A_255 = arith.constant 0 : i32
        %dma_start3A_256 = arith.constant 0 : i32
        %dma_start3A_257 = tpu.memref_slice %arg4[%dma_start3A_255, %dma_start3A_256] : memref<1000001x64xf32, #tpu.memory_space<hbm>> -> memref<1000001x64xf32, #tpu.memory_space<hbm>>
        tpu.enqueue_indirect_dma source(%dma_start3A_257 : memref<1000001x64xf32, #tpu.memory_space<hbm>>) target(%dma_start3A_251 : memref<128x64xf32, #tpu.memory_space<vmem>>) offsets(%dma_start3A_254 : memref<128xi32, #tpu.memory_space<vmem>>) semaphore(%arg13 : memref<!tpu.dma_semaphore, #tpu.memory_space<semaphore_mem>>)
      } else {
      }
      %dma_wait3A_79 = arith.constant 0 : i32
      %dma_wait3A_80 = arith.constant 0 : i32
      %dma_wait3A_81 = arith.constant 0 : i32
      %dma_wait3A_82 = tpu.memref_slice %arg8[%dma_wait3A_80, %dma_wait3A_81] : memref<256x64xf32, #tpu.memory_space<vmem>> -> memref<128x64xf32, #tpu.memory_space<vmem>>
      %dma_wait3A_83 = arith.constant 0 : i32
      %dma_wait3A_84 = tpu.memref_slice %arg6[%dma_wait3A_79, %dma_wait3A_83] : memref<200x128xi32, #tpu.memory_space<vmem>> -> memref<1x128xi32, #tpu.memory_space<vmem>>
      %dma_wait3A_85 = tpu.memref_squeeze %dma_wait3A_84 : memref<1x128xi32, #tpu.memory_space<vmem>> -> memref<128xi32, #tpu.memory_space<vmem>>
      %dma_wait3A_86 = arith.constant 0 : i32
      %dma_wait3A_87 = arith.constant 0 : i32
      %dma_wait3A_88 = tpu.memref_slice %arg4[%dma_wait3A_86, %dma_wait3A_87] : memref<1000001x64xf32, #tpu.memory_space<hbm>> -> memref<1000001x64xf32, #tpu.memory_space<hbm>>
      tpu.wait_indirect_dma semaphore(%arg12 : memref<!tpu.dma_semaphore, #tpu.memory_space<semaphore_mem>>) src(%dma_wait3A_88 : memref<1000001x64xf32, #tpu.memory_space<hbm>>) dst(%dma_wait3A_82 : memref<128x64xf32, #tpu.memory_space<vmem>>)
      %dma_wait3A_89 = arith.constant 0 : i32
      %dma_wait3A_90 = arith.constant 128 : i32
      %dma_wait3A_91 = arith.constant 0 : i32
      %dma_wait3A_92 = tpu.memref_slice %arg8[%dma_wait3A_90, %dma_wait3A_91] : memref<256x64xf32, #tpu.memory_space<vmem>> -> memref<128x64xf32, #tpu.memory_space<vmem>>
      %dma_wait3A_93 = arith.constant 0 : i32
      %dma_wait3A_94 = tpu.memref_slice %arg6[%dma_wait3A_89, %dma_wait3A_93] : memref<200x128xi32, #tpu.memory_space<vmem>> -> memref<1x128xi32, #tpu.memory_space<vmem>>
      %dma_wait3A_95 = tpu.memref_squeeze %dma_wait3A_94 : memref<1x128xi32, #tpu.memory_space<vmem>> -> memref<128xi32, #tpu.memory_space<vmem>>
      %dma_wait3A_96 = arith.constant 0 : i32
      %dma_wait3A_97 = arith.constant 0 : i32
      %dma_wait3A_98 = tpu.memref_slice %arg4[%dma_wait3A_96, %dma_wait3A_97] : memref<1000001x64xf32, #tpu.memory_space<hbm>> -> memref<1000001x64xf32, #tpu.memory_space<hbm>>
      tpu.wait_indirect_dma semaphore(%arg12 : memref<!tpu.dma_semaphore, #tpu.memory_space<semaphore_mem>>) src(%dma_wait3A_98 : memref<1000001x64xf32, #tpu.memory_space<hbm>>) dst(%dma_wait3A_92 : memref<128x64xf32, #tpu.memory_space<vmem>>)
      %mul3A_99 = arith.constant 256 : i32
      %mul3A_100 = arith.muli %add3A_74, %mul3A_99 : i32
      %add3A_101 = arith.addi %mul3A_2, %mul3A_100 : i32
      %multiple_of3A_102 = tpu.assume_multiple %add3A_101, 256 : i32
      %dma_start3A_103 = arith.constant 0 : i32
      %dma_start3A_104 = tpu.memref_slice %arg5[%multiple_of3A_102, %dma_start3A_103] : memref<819200x64xf32, #tpu.memory_space<hbm>> -> memref<256x64xf32, #tpu.memory_space<hbm>>
      %dma_start3A_105 = arith.constant 0 : i32
      %dma_start3A_106 = tpu.memref_slice %arg5[%multiple_of3A_102, %dma_start3A_105] : memref<819200x64xf32, #tpu.memory_space<hbm>> -> memref<256x64xf32, #tpu.memory_space<hbm>>
      tpu.enqueue_dma source(%arg8 : memref<256x64xf32, #tpu.memory_space<vmem>>) target(%dma_start3A_106 : memref<256x64xf32, #tpu.memory_space<hbm>>) target_semaphore(%arg16 : memref<!tpu.dma_semaphore, #tpu.memory_space<semaphore_mem>>)
      %mul3A_107 = arith.constant 4 : i32
      %mul3A_108 = arith.muli %scan3A_70, %mul3A_107 : i32
      %add3A_109 = arith.constant 1 : i32
      %add3A_110 = arith.addi %mul3A_108, %add3A_109 : i32
      %add3A_111 = arith.constant 1 : i32
      %add3A_112 = arith.addi %add3A_110, %add3A_111 : i32
      %lt3A_113 = arith.constant 100 : i32
      %lt3A_114 = arith.cmpi slt, %add3A_112, %lt3A_113 : i32
      %convert_element_type3A_115 = arith.extui %lt3A_114 : i1 to i32
      %cond3A_116 = arith.constant 0 : i32
      %cond3A_117 = arith.cmpi ne, %convert_element_type3A_115, %cond3A_116 : i32
      scf.if %cond3A_117 {
        %add3A_224 = arith.constant 1 : i32
        %add3A_225 = arith.addi %add3A_110, %add3A_224 : i32
        %ge3A = arith.constant 4 : i32
        %ge3A_226 = arith.cmpi sge, %add3A_225, %ge3A : i32
        %convert_element_type3A_227 = arith.extui %ge3A_226 : i1 to i32
        %cond3A_228 = arith.constant 0 : i32
        %cond3A_229 = arith.cmpi ne, %convert_element_type3A_227, %cond3A_228 : i32
        scf.if %cond3A_229 {
          %multiple_of3A_258 = tpu.assume_multiple %mul3A_2, 256 : i32
          %dma_wait3A_259 = arith.constant 0 : i32
          %dma_wait3A_260 = tpu.memref_slice %arg5[%multiple_of3A_258, %dma_wait3A_259] : memref<819200x64xf32, #tpu.memory_space<hbm>> -> memref<256x64xf32, #tpu.memory_space<hbm>>
          %dma_wait3A_261 = arith.constant 0 : i32
          %dma_wait3A_262 = tpu.memref_slice %arg5[%multiple_of3A_258, %dma_wait3A_261] : memref<819200x64xf32, #tpu.memory_space<hbm>> -> memref<256x64xf32, #tpu.memory_space<hbm>>
          tpu.wait_dma2 semaphore(%arg18 : memref<!tpu.dma_semaphore, #tpu.memory_space<semaphore_mem>>) src(%arg10 : memref<256x64xf32, #tpu.memory_space<vmem>>) dst(%dma_wait3A_262 : memref<256x64xf32, #tpu.memory_space<hbm>>)
        } else {
        }
        %add3A_230 = arith.constant 1 : i32
        %add3A_231 = arith.addi %add3A_110, %add3A_230 : i32
        %mul3A_232 = arith.constant 2 : i32
        %mul3A_233 = arith.muli %add3A_231, %mul3A_232 : i32
        %add3A_234 = arith.constant 0 : i32
        %add3A_235 = arith.addi %mul3A_233, %add3A_234 : i32
        %dma_start3A_236 = arith.constant 0 : i32
        %dma_start3A_237 = arith.constant 0 : i32
        %dma_start3A_238 = tpu.memref_slice %arg10[%dma_start3A_236, %dma_start3A_237] : memref<256x64xf32, #tpu.memory_space<vmem>> -> memref<128x64xf32, #tpu.memory_space<vmem>>
        %dma_start3A_239 = arith.constant 0 : i32
        %dma_start3A_240 = tpu.memref_slice %arg6[%add3A_235, %dma_start3A_239] : memref<200x128xi32, #tpu.memory_space<vmem>> -> memref<1x128xi32, #tpu.memory_space<vmem>>
        %dma_start3A_241 = tpu.memref_squeeze %dma_start3A_240 : memref<1x128xi32, #tpu.memory_space<vmem>> -> memref<128xi32, #tpu.memory_space<vmem>>
        %dma_start3A_242 = arith.constant 0 : i32
        %dma_start3A_243 = arith.constant 0 : i32
        %dma_start3A_244 = tpu.memref_slice %arg4[%dma_start3A_242, %dma_start3A_243] : memref<1000001x64xf32, #tpu.memory_space<hbm>> -> memref<1000001x64xf32, #tpu.memory_space<hbm>>
        tpu.enqueue_indirect_dma source(%dma_start3A_244 : memref<1000001x64xf32, #tpu.memory_space<hbm>>) target(%dma_start3A_238 : memref<128x64xf32, #tpu.memory_space<vmem>>) offsets(%dma_start3A_241 : memref<128xi32, #tpu.memory_space<vmem>>) semaphore(%arg14 : memref<!tpu.dma_semaphore, #tpu.memory_space<semaphore_mem>>)
        %mul3A_245 = arith.constant 2 : i32
        %mul3A_246 = arith.muli %add3A_231, %mul3A_245 : i32
        %add3A_247 = arith.constant 1 : i32
        %add3A_248 = arith.addi %mul3A_246, %add3A_247 : i32
        %dma_start3A_249 = arith.constant 128 : i32
        %dma_start3A_250 = arith.constant 0 : i32
        %dma_start3A_251 = tpu.memref_slice %arg10[%dma_start3A_249, %dma_start3A_250] : memref<256x64xf32, #tpu.memory_space<vmem>> -> memref<128x64xf32, #tpu.memory_space<vmem>>
        %dma_start3A_252 = arith.constant 0 : i32
        %dma_start3A_253 = tpu.memref_slice %arg6[%add3A_248, %dma_start3A_252] : memref<200x128xi32, #tpu.memory_space<vmem>> -> memref<1x128xi32, #tpu.memory_space<vmem>>
        %dma_start3A_254 = tpu.memref_squeeze %dma_start3A_253 : memref<1x128xi32, #tpu.memory_space<vmem>> -> memref<128xi32, #tpu.memory_space<vmem>>
        %dma_start3A_255 = arith.constant 0 : i32
        %dma_start3A_256 = arith.constant 0 : i32
        %dma_start3A_257 = tpu.memref_slice %arg4[%dma_start3A_255, %dma_start3A_256] : memref<1000001x64xf32, #tpu.memory_space<hbm>> -> memref<1000001x64xf32, #tpu.memory_space<hbm>>
        tpu.enqueue_indirect_dma source(%dma_start3A_257 : memref<1000001x64xf32, #tpu.memory_space<hbm>>) target(%dma_start3A_251 : memref<128x64xf32, #tpu.memory_space<vmem>>) offsets(%dma_start3A_254 : memref<128xi32, #tpu.memory_space<vmem>>) semaphore(%arg14 : memref<!tpu.dma_semaphore, #tpu.memory_space<semaphore_mem>>)
      } else {
      }
      %dma_wait3A_118 = arith.constant 0 : i32
      %dma_wait3A_119 = arith.constant 0 : i32
      %dma_wait3A_120 = arith.constant 0 : i32
      %dma_wait3A_121 = tpu.memref_slice %arg9[%dma_wait3A_119, %dma_wait3A_120] : memref<256x64xf32, #tpu.memory_space<vmem>> -> memref<128x64xf32, #tpu.memory_space<vmem>>
      %dma_wait3A_122 = arith.constant 0 : i32
      %dma_wait3A_123 = tpu.memref_slice %arg6[%dma_wait3A_118, %dma_wait3A_122] : memref<200x128xi32, #tpu.memory_space<vmem>> -> memref<1x128xi32, #tpu.memory_space<vmem>>
      %dma_wait3A_124 = tpu.memref_squeeze %dma_wait3A_123 : memref<1x128xi32, #tpu.memory_space<vmem>> -> memref<128xi32, #tpu.memory_space<vmem>>
      %dma_wait3A_125 = arith.constant 0 : i32
      %dma_wait3A_126 = arith.constant 0 : i32
      %dma_wait3A_127 = tpu.memref_slice %arg4[%dma_wait3A_125, %dma_wait3A_126] : memref<1000001x64xf32, #tpu.memory_space<hbm>> -> memref<1000001x64xf32, #tpu.memory_space<hbm>>
      tpu.wait_indirect_dma semaphore(%arg13 : memref<!tpu.dma_semaphore, #tpu.memory_space<semaphore_mem>>) src(%dma_wait3A_127 : memref<1000001x64xf32, #tpu.memory_space<hbm>>) dst(%dma_wait3A_121 : memref<128x64xf32, #tpu.memory_space<vmem>>)
      %dma_wait3A_128 = arith.constant 0 : i32
      %dma_wait3A_129 = arith.constant 128 : i32
      %dma_wait3A_130 = arith.constant 0 : i32
      %dma_wait3A_131 = tpu.memref_slice %arg9[%dma_wait3A_129, %dma_wait3A_130] : memref<256x64xf32, #tpu.memory_space<vmem>> -> memref<128x64xf32, #tpu.memory_space<vmem>>
      %dma_wait3A_132 = arith.constant 0 : i32
      %dma_wait3A_133 = tpu.memref_slice %arg6[%dma_wait3A_128, %dma_wait3A_132] : memref<200x128xi32, #tpu.memory_space<vmem>> -> memref<1x128xi32, #tpu.memory_space<vmem>>
      %dma_wait3A_134 = tpu.memref_squeeze %dma_wait3A_133 : memref<1x128xi32, #tpu.memory_space<vmem>> -> memref<128xi32, #tpu.memory_space<vmem>>
      %dma_wait3A_135 = arith.constant 0 : i32
      %dma_wait3A_136 = arith.constant 0 : i32
      %dma_wait3A_137 = tpu.memref_slice %arg4[%dma_wait3A_135, %dma_wait3A_136] : memref<1000001x64xf32, #tpu.memory_space<hbm>> -> memref<1000001x64xf32, #tpu.memory_space<hbm>>
      tpu.wait_indirect_dma semaphore(%arg13 : memref<!tpu.dma_semaphore, #tpu.memory_space<semaphore_mem>>) src(%dma_wait3A_137 : memref<1000001x64xf32, #tpu.memory_space<hbm>>) dst(%dma_wait3A_131 : memref<128x64xf32, #tpu.memory_space<vmem>>)
      %mul3A_138 = arith.constant 256 : i32
      %mul3A_139 = arith.muli %add3A_110, %mul3A_138 : i32
      %add3A_140 = arith.addi %mul3A_2, %mul3A_139 : i32
      %multiple_of3A_141 = tpu.assume_multiple %add3A_140, 256 : i32
      %dma_start3A_142 = arith.constant 0 : i32
      %dma_start3A_143 = tpu.memref_slice %arg5[%multiple_of3A_141, %dma_start3A_142] : memref<819200x64xf32, #tpu.memory_space<hbm>> -> memref<256x64xf32, #tpu.memory_space<hbm>>
      %dma_start3A_144 = arith.constant 0 : i32
      %dma_start3A_145 = tpu.memref_slice %arg5[%multiple_of3A_141, %dma_start3A_144] : memref<819200x64xf32, #tpu.memory_space<hbm>> -> memref<256x64xf32, #tpu.memory_space<hbm>>
      tpu.enqueue_dma source(%arg9 : memref<256x64xf32, #tpu.memory_space<vmem>>) target(%dma_start3A_145 : memref<256x64xf32, #tpu.memory_space<hbm>>) target_semaphore(%arg17 : memref<!tpu.dma_semaphore, #tpu.memory_space<semaphore_mem>>)
      %mul3A_146 = arith.constant 4 : i32
      %mul3A_147 = arith.muli %scan3A_70, %mul3A_146 : i32
      %add3A_148 = arith.constant 2 : i32
      %add3A_149 = arith.addi %mul3A_147, %add3A_148 : i32
      %add3A_150 = arith.constant 1 : i32
      %add3A_151 = arith.addi %add3A_149, %add3A_150 : i32
      %lt3A_152 = arith.constant 100 : i32
      %lt3A_153 = arith.cmpi slt, %add3A_151, %lt3A_152 : i32
      %convert_element_type3A_154 = arith.extui %lt3A_153 : i1 to i32
      %cond3A_155 = arith.constant 0 : i32
      %cond3A_156 = arith.cmpi ne, %convert_element_type3A_154, %cond3A_155 : i32
      scf.if %cond3A_156 {
        %add3A_224 = arith.constant 1 : i32
        %add3A_225 = arith.addi %add3A_149, %add3A_224 : i32
        %ge3A = arith.constant 4 : i32
        %ge3A_226 = arith.cmpi sge, %add3A_225, %ge3A : i32
        %convert_element_type3A_227 = arith.extui %ge3A_226 : i1 to i32
        %cond3A_228 = arith.constant 0 : i32
        %cond3A_229 = arith.cmpi ne, %convert_element_type3A_227, %cond3A_228 : i32
        scf.if %cond3A_229 {
          %multiple_of3A_258 = tpu.assume_multiple %mul3A_2, 256 : i32
          %dma_wait3A_259 = arith.constant 0 : i32
          %dma_wait3A_260 = tpu.memref_slice %arg5[%multiple_of3A_258, %dma_wait3A_259] : memref<819200x64xf32, #tpu.memory_space<hbm>> -> memref<256x64xf32, #tpu.memory_space<hbm>>
          %dma_wait3A_261 = arith.constant 0 : i32
          %dma_wait3A_262 = tpu.memref_slice %arg5[%multiple_of3A_258, %dma_wait3A_261] : memref<819200x64xf32, #tpu.memory_space<hbm>> -> memref<256x64xf32, #tpu.memory_space<hbm>>
          tpu.wait_dma2 semaphore(%arg19 : memref<!tpu.dma_semaphore, #tpu.memory_space<semaphore_mem>>) src(%arg11 : memref<256x64xf32, #tpu.memory_space<vmem>>) dst(%dma_wait3A_262 : memref<256x64xf32, #tpu.memory_space<hbm>>)
        } else {
        }
        %add3A_230 = arith.constant 1 : i32
        %add3A_231 = arith.addi %add3A_149, %add3A_230 : i32
        %mul3A_232 = arith.constant 2 : i32
        %mul3A_233 = arith.muli %add3A_231, %mul3A_232 : i32
        %add3A_234 = arith.constant 0 : i32
        %add3A_235 = arith.addi %mul3A_233, %add3A_234 : i32
        %dma_start3A_236 = arith.constant 0 : i32
        %dma_start3A_237 = arith.constant 0 : i32
        %dma_start3A_238 = tpu.memref_slice %arg11[%dma_start3A_236, %dma_start3A_237] : memref<256x64xf32, #tpu.memory_space<vmem>> -> memref<128x64xf32, #tpu.memory_space<vmem>>
        %dma_start3A_239 = arith.constant 0 : i32
        %dma_start3A_240 = tpu.memref_slice %arg6[%add3A_235, %dma_start3A_239] : memref<200x128xi32, #tpu.memory_space<vmem>> -> memref<1x128xi32, #tpu.memory_space<vmem>>
        %dma_start3A_241 = tpu.memref_squeeze %dma_start3A_240 : memref<1x128xi32, #tpu.memory_space<vmem>> -> memref<128xi32, #tpu.memory_space<vmem>>
        %dma_start3A_242 = arith.constant 0 : i32
        %dma_start3A_243 = arith.constant 0 : i32
        %dma_start3A_244 = tpu.memref_slice %arg4[%dma_start3A_242, %dma_start3A_243] : memref<1000001x64xf32, #tpu.memory_space<hbm>> -> memref<1000001x64xf32, #tpu.memory_space<hbm>>
        tpu.enqueue_indirect_dma source(%dma_start3A_244 : memref<1000001x64xf32, #tpu.memory_space<hbm>>) target(%dma_start3A_238 : memref<128x64xf32, #tpu.memory_space<vmem>>) offsets(%dma_start3A_241 : memref<128xi32, #tpu.memory_space<vmem>>) semaphore(%arg15 : memref<!tpu.dma_semaphore, #tpu.memory_space<semaphore_mem>>)
        %mul3A_245 = arith.constant 2 : i32
        %mul3A_246 = arith.muli %add3A_231, %mul3A_245 : i32
        %add3A_247 = arith.constant 1 : i32
        %add3A_248 = arith.addi %mul3A_246, %add3A_247 : i32
        %dma_start3A_249 = arith.constant 128 : i32
        %dma_start3A_250 = arith.constant 0 : i32
        %dma_start3A_251 = tpu.memref_slice %arg11[%dma_start3A_249, %dma_start3A_250] : memref<256x64xf32, #tpu.memory_space<vmem>> -> memref<128x64xf32, #tpu.memory_space<vmem>>
        %dma_start3A_252 = arith.constant 0 : i32
        %dma_start3A_253 = tpu.memref_slice %arg6[%add3A_248, %dma_start3A_252] : memref<200x128xi32, #tpu.memory_space<vmem>> -> memref<1x128xi32, #tpu.memory_space<vmem>>
        %dma_start3A_254 = tpu.memref_squeeze %dma_start3A_253 : memref<1x128xi32, #tpu.memory_space<vmem>> -> memref<128xi32, #tpu.memory_space<vmem>>
        %dma_start3A_255 = arith.constant 0 : i32
        %dma_start3A_256 = arith.constant 0 : i32
        %dma_start3A_257 = tpu.memref_slice %arg4[%dma_start3A_255, %dma_start3A_256] : memref<1000001x64xf32, #tpu.memory_space<hbm>> -> memref<1000001x64xf32, #tpu.memory_space<hbm>>
        tpu.enqueue_indirect_dma source(%dma_start3A_257 : memref<1000001x64xf32, #tpu.memory_space<hbm>>) target(%dma_start3A_251 : memref<128x64xf32, #tpu.memory_space<vmem>>) offsets(%dma_start3A_254 : memref<128xi32, #tpu.memory_space<vmem>>) semaphore(%arg15 : memref<!tpu.dma_semaphore, #tpu.memory_space<semaphore_mem>>)
      } else {
      }
      %dma_wait3A_157 = arith.constant 0 : i32
      %dma_wait3A_158 = arith.constant 0 : i32
      %dma_wait3A_159 = arith.constant 0 : i32
      %dma_wait3A_160 = tpu.memref_slice %arg10[%dma_wait3A_158, %dma_wait3A_159] : memref<256x64xf32, #tpu.memory_space<vmem>> -> memref<128x64xf32, #tpu.memory_space<vmem>>
      %dma_wait3A_161 = arith.constant 0 : i32
      %dma_wait3A_162 = tpu.memref_slice %arg6[%dma_wait3A_157, %dma_wait3A_161] : memref<200x128xi32, #tpu.memory_space<vmem>> -> memref<1x128xi32, #tpu.memory_space<vmem>>
      %dma_wait3A_163 = tpu.memref_squeeze %dma_wait3A_162 : memref<1x128xi32, #tpu.memory_space<vmem>> -> memref<128xi32, #tpu.memory_space<vmem>>
      %dma_wait3A_164 = arith.constant 0 : i32
      %dma_wait3A_165 = arith.constant 0 : i32
      %dma_wait3A_166 = tpu.memref_slice %arg4[%dma_wait3A_164, %dma_wait3A_165] : memref<1000001x64xf32, #tpu.memory_space<hbm>> -> memref<1000001x64xf32, #tpu.memory_space<hbm>>
      tpu.wait_indirect_dma semaphore(%arg14 : memref<!tpu.dma_semaphore, #tpu.memory_space<semaphore_mem>>) src(%dma_wait3A_166 : memref<1000001x64xf32, #tpu.memory_space<hbm>>) dst(%dma_wait3A_160 : memref<128x64xf32, #tpu.memory_space<vmem>>)
      %dma_wait3A_167 = arith.constant 0 : i32
      %dma_wait3A_168 = arith.constant 128 : i32
      %dma_wait3A_169 = arith.constant 0 : i32
      %dma_wait3A_170 = tpu.memref_slice %arg10[%dma_wait3A_168, %dma_wait3A_169] : memref<256x64xf32, #tpu.memory_space<vmem>> -> memref<128x64xf32, #tpu.memory_space<vmem>>
      %dma_wait3A_171 = arith.constant 0 : i32
      %dma_wait3A_172 = tpu.memref_slice %arg6[%dma_wait3A_167, %dma_wait3A_171] : memref<200x128xi32, #tpu.memory_space<vmem>> -> memref<1x128xi32, #tpu.memory_space<vmem>>
      %dma_wait3A_173 = tpu.memref_squeeze %dma_wait3A_172 : memref<1x128xi32, #tpu.memory_space<vmem>> -> memref<128xi32, #tpu.memory_space<vmem>>
      %dma_wait3A_174 = arith.constant 0 : i32
      %dma_wait3A_175 = arith.constant 0 : i32
      %dma_wait3A_176 = tpu.memref_slice %arg4[%dma_wait3A_174, %dma_wait3A_175] : memref<1000001x64xf32, #tpu.memory_space<hbm>> -> memref<1000001x64xf32, #tpu.memory_space<hbm>>
      tpu.wait_indirect_dma semaphore(%arg14 : memref<!tpu.dma_semaphore, #tpu.memory_space<semaphore_mem>>) src(%dma_wait3A_176 : memref<1000001x64xf32, #tpu.memory_space<hbm>>) dst(%dma_wait3A_170 : memref<128x64xf32, #tpu.memory_space<vmem>>)
      %mul3A_177 = arith.constant 256 : i32
      %mul3A_178 = arith.muli %add3A_149, %mul3A_177 : i32
      %add3A_179 = arith.addi %mul3A_2, %mul3A_178 : i32
      %multiple_of3A_180 = tpu.assume_multiple %add3A_179, 256 : i32
      %dma_start3A_181 = arith.constant 0 : i32
      %dma_start3A_182 = tpu.memref_slice %arg5[%multiple_of3A_180, %dma_start3A_181] : memref<819200x64xf32, #tpu.memory_space<hbm>> -> memref<256x64xf32, #tpu.memory_space<hbm>>
      %dma_start3A_183 = arith.constant 0 : i32
      %dma_start3A_184 = tpu.memref_slice %arg5[%multiple_of3A_180, %dma_start3A_183] : memref<819200x64xf32, #tpu.memory_space<hbm>> -> memref<256x64xf32, #tpu.memory_space<hbm>>
      tpu.enqueue_dma source(%arg10 : memref<256x64xf32, #tpu.memory_space<vmem>>) target(%dma_start3A_184 : memref<256x64xf32, #tpu.memory_space<hbm>>) target_semaphore(%arg18 : memref<!tpu.dma_semaphore, #tpu.memory_space<semaphore_mem>>)
      %mul3A_185 = arith.constant 4 : i32
      %mul3A_186 = arith.muli %scan3A_70, %mul3A_185 : i32
      %add3A_187 = arith.constant 3 : i32
      %add3A_188 = arith.addi %mul3A_186, %add3A_187 : i32
      %add3A_189 = arith.constant 1 : i32
      %add3A_190 = arith.addi %add3A_188, %add3A_189 : i32
      %lt3A_191 = arith.constant 100 : i32
      %lt3A_192 = arith.cmpi slt, %add3A_190, %lt3A_191 : i32
      %convert_element_type3A_193 = arith.extui %lt3A_192 : i1 to i32
      %cond3A_194 = arith.constant 0 : i32
      %cond3A_195 = arith.cmpi ne, %convert_element_type3A_193, %cond3A_194 : i32
      scf.if %cond3A_195 {
        %add3A_224 = arith.constant 1 : i32
        %add3A_225 = arith.addi %add3A_188, %add3A_224 : i32
        %ge3A = arith.constant 4 : i32
        %ge3A_226 = arith.cmpi sge, %add3A_225, %ge3A : i32
        %convert_element_type3A_227 = arith.extui %ge3A_226 : i1 to i32
        %cond3A_228 = arith.constant 0 : i32
        %cond3A_229 = arith.cmpi ne, %convert_element_type3A_227, %cond3A_228 : i32
        scf.if %cond3A_229 {
          %multiple_of3A_258 = tpu.assume_multiple %mul3A_2, 256 : i32
          %dma_wait3A_259 = arith.constant 0 : i32
          %dma_wait3A_260 = tpu.memref_slice %arg5[%multiple_of3A_258, %dma_wait3A_259] : memref<819200x64xf32, #tpu.memory_space<hbm>> -> memref<256x64xf32, #tpu.memory_space<hbm>>
          %dma_wait3A_261 = arith.constant 0 : i32
          %dma_wait3A_262 = tpu.memref_slice %arg5[%multiple_of3A_258, %dma_wait3A_261] : memref<819200x64xf32, #tpu.memory_space<hbm>> -> memref<256x64xf32, #tpu.memory_space<hbm>>
          tpu.wait_dma2 semaphore(%arg16 : memref<!tpu.dma_semaphore, #tpu.memory_space<semaphore_mem>>) src(%arg8 : memref<256x64xf32, #tpu.memory_space<vmem>>) dst(%dma_wait3A_262 : memref<256x64xf32, #tpu.memory_space<hbm>>)
        } else {
        }
        %add3A_230 = arith.constant 1 : i32
        %add3A_231 = arith.addi %add3A_188, %add3A_230 : i32
        %mul3A_232 = arith.constant 2 : i32
        %mul3A_233 = arith.muli %add3A_231, %mul3A_232 : i32
        %add3A_234 = arith.constant 0 : i32
        %add3A_235 = arith.addi %mul3A_233, %add3A_234 : i32
        %dma_start3A_236 = arith.constant 0 : i32
        %dma_start3A_237 = arith.constant 0 : i32
        %dma_start3A_238 = tpu.memref_slice %arg8[%dma_start3A_236, %dma_start3A_237] : memref<256x64xf32, #tpu.memory_space<vmem>> -> memref<128x64xf32, #tpu.memory_space<vmem>>
        %dma_start3A_239 = arith.constant 0 : i32
        %dma_start3A_240 = tpu.memref_slice %arg6[%add3A_235, %dma_start3A_239] : memref<200x128xi32, #tpu.memory_space<vmem>> -> memref<1x128xi32, #tpu.memory_space<vmem>>
        %dma_start3A_241 = tpu.memref_squeeze %dma_start3A_240 : memref<1x128xi32, #tpu.memory_space<vmem>> -> memref<128xi32, #tpu.memory_space<vmem>>
        %dma_start3A_242 = arith.constant 0 : i32
        %dma_start3A_243 = arith.constant 0 : i32
        %dma_start3A_244 = tpu.memref_slice %arg4[%dma_start3A_242, %dma_start3A_243] : memref<1000001x64xf32, #tpu.memory_space<hbm>> -> memref<1000001x64xf32, #tpu.memory_space<hbm>>
        tpu.enqueue_indirect_dma source(%dma_start3A_244 : memref<1000001x64xf32, #tpu.memory_space<hbm>>) target(%dma_start3A_238 : memref<128x64xf32, #tpu.memory_space<vmem>>) offsets(%dma_start3A_241 : memref<128xi32, #tpu.memory_space<vmem>>) semaphore(%arg12 : memref<!tpu.dma_semaphore, #tpu.memory_space<semaphore_mem>>)
        %mul3A_245 = arith.constant 2 : i32
        %mul3A_246 = arith.muli %add3A_231, %mul3A_245 : i32
        %add3A_247 = arith.constant 1 : i32
        %add3A_248 = arith.addi %mul3A_246, %add3A_247 : i32
        %dma_start3A_249 = arith.constant 128 : i32
        %dma_start3A_250 = arith.constant 0 : i32
        %dma_start3A_251 = tpu.memref_slice %arg8[%dma_start3A_249, %dma_start3A_250] : memref<256x64xf32, #tpu.memory_space<vmem>> -> memref<128x64xf32, #tpu.memory_space<vmem>>
        %dma_start3A_252 = arith.constant 0 : i32
        %dma_start3A_253 = tpu.memref_slice %arg6[%add3A_248, %dma_start3A_252] : memref<200x128xi32, #tpu.memory_space<vmem>> -> memref<1x128xi32, #tpu.memory_space<vmem>>
        %dma_start3A_254 = tpu.memref_squeeze %dma_start3A_253 : memref<1x128xi32, #tpu.memory_space<vmem>> -> memref<128xi32, #tpu.memory_space<vmem>>
        %dma_start3A_255 = arith.constant 0 : i32
        %dma_start3A_256 = arith.constant 0 : i32
        %dma_start3A_257 = tpu.memref_slice %arg4[%dma_start3A_255, %dma_start3A_256] : memref<1000001x64xf32, #tpu.memory_space<hbm>> -> memref<1000001x64xf32, #tpu.memory_space<hbm>>
        tpu.enqueue_indirect_dma source(%dma_start3A_257 : memref<1000001x64xf32, #tpu.memory_space<hbm>>) target(%dma_start3A_251 : memref<128x64xf32, #tpu.memory_space<vmem>>) offsets(%dma_start3A_254 : memref<128xi32, #tpu.memory_space<vmem>>) semaphore(%arg12 : memref<!tpu.dma_semaphore, #tpu.memory_space<semaphore_mem>>)
      } else {
      }
      %dma_wait3A_196 = arith.constant 0 : i32
      %dma_wait3A_197 = arith.constant 0 : i32
      %dma_wait3A_198 = arith.constant 0 : i32
      %dma_wait3A_199 = tpu.memref_slice %arg11[%dma_wait3A_197, %dma_wait3A_198] : memref<256x64xf32, #tpu.memory_space<vmem>> -> memref<128x64xf32, #tpu.memory_space<vmem>>
      %dma_wait3A_200 = arith.constant 0 : i32
      %dma_wait3A_201 = tpu.memref_slice %arg6[%dma_wait3A_196, %dma_wait3A_200] : memref<200x128xi32, #tpu.memory_space<vmem>> -> memref<1x128xi32, #tpu.memory_space<vmem>>
      %dma_wait3A_202 = tpu.memref_squeeze %dma_wait3A_201 : memref<1x128xi32, #tpu.memory_space<vmem>> -> memref<128xi32, #tpu.memory_space<vmem>>
      %dma_wait3A_203 = arith.constant 0 : i32
      %dma_wait3A_204 = arith.constant 0 : i32
      %dma_wait3A_205 = tpu.memref_slice %arg4[%dma_wait3A_203, %dma_wait3A_204] : memref<1000001x64xf32, #tpu.memory_space<hbm>> -> memref<1000001x64xf32, #tpu.memory_space<hbm>>
      tpu.wait_indirect_dma semaphore(%arg15 : memref<!tpu.dma_semaphore, #tpu.memory_space<semaphore_mem>>) src(%dma_wait3A_205 : memref<1000001x64xf32, #tpu.memory_space<hbm>>) dst(%dma_wait3A_199 : memref<128x64xf32, #tpu.memory_space<vmem>>)
      %dma_wait3A_206 = arith.constant 0 : i32
      %dma_wait3A_207 = arith.constant 128 : i32
      %dma_wait3A_208 = arith.constant 0 : i32
      %dma_wait3A_209 = tpu.memref_slice %arg11[%dma_wait3A_207, %dma_wait3A_208] : memref<256x64xf32, #tpu.memory_space<vmem>> -> memref<128x64xf32, #tpu.memory_space<vmem>>
      %dma_wait3A_210 = arith.constant 0 : i32
      %dma_wait3A_211 = tpu.memref_slice %arg6[%dma_wait3A_206, %dma_wait3A_210] : memref<200x128xi32, #tpu.memory_space<vmem>> -> memref<1x128xi32, #tpu.memory_space<vmem>>
      %dma_wait3A_212 = tpu.memref_squeeze %dma_wait3A_211 : memref<1x128xi32, #tpu.memory_space<vmem>> -> memref<128xi32, #tpu.memory_space<vmem>>
      %dma_wait3A_213 = arith.constant 0 : i32
      %dma_wait3A_214 = arith.constant 0 : i32
      %dma_wait3A_215 = tpu.memref_slice %arg4[%dma_wait3A_213, %dma_wait3A_214] : memref<1000001x64xf32, #tpu.memory_space<hbm>> -> memref<1000001x64xf32, #tpu.memory_space<hbm>>
      tpu.wait_indirect_dma semaphore(%arg15 : memref<!tpu.dma_semaphore, #tpu.memory_space<semaphore_mem>>) src(%dma_wait3A_215 : memref<1000001x64xf32, #tpu.memory_space<hbm>>) dst(%dma_wait3A_209 : memref<128x64xf32, #tpu.memory_space<vmem>>)
      %mul3A_216 = arith.constant 256 : i32
      %mul3A_217 = arith.muli %add3A_188, %mul3A_216 : i32
      %add3A_218 = arith.addi %mul3A_2, %mul3A_217 : i32
      %multiple_of3A_219 = tpu.assume_multiple %add3A_218, 256 : i32
      %dma_start3A_220 = arith.constant 0 : i32
      %dma_start3A_221 = tpu.memref_slice %arg5[%multiple_of3A_219, %dma_start3A_220] : memref<819200x64xf32, #tpu.memory_space<hbm>> -> memref<256x64xf32, #tpu.memory_space<hbm>>
      %dma_start3A_222 = arith.constant 0 : i32
      %dma_start3A_223 = tpu.memref_slice %arg5[%multiple_of3A_219, %dma_start3A_222] : memref<819200x64xf32, #tpu.memory_space<hbm>> -> memref<256x64xf32, #tpu.memory_space<hbm>>
      tpu.enqueue_dma source(%arg11 : memref<256x64xf32, #tpu.memory_space<vmem>>) target(%dma_start3A_223 : memref<256x64xf32, #tpu.memory_space<hbm>>) target_semaphore(%arg19 : memref<!tpu.dma_semaphore, #tpu.memory_space<semaphore_mem>>)
    }
    %scan3A_50 = arith.constant 25 : i32
    %multiple_of3A_51 = tpu.assume_multiple %mul3A_2, 256 : i32
    %dma_wait3A = arith.constant 0 : i32
    %dma_wait3A_52 = tpu.memref_slice %arg5[%multiple_of3A_51, %dma_wait3A] : memref<819200x64xf32, #tpu.memory_space<hbm>> -> memref<256x64xf32, #tpu.memory_space<hbm>>
    %dma_wait3A_53 = arith.constant 0 : i32
    %dma_wait3A_54 = tpu.memref_slice %arg5[%multiple_of3A_51, %dma_wait3A_53] : memref<819200x64xf32, #tpu.memory_space<hbm>> -> memref<256x64xf32, #tpu.memory_space<hbm>>
    tpu.wait_dma2 semaphore(%arg16 : memref<!tpu.dma_semaphore, #tpu.memory_space<semaphore_mem>>) src(%arg8 : memref<256x64xf32, #tpu.memory_space<vmem>>) dst(%dma_wait3A_54 : memref<256x64xf32, #tpu.memory_space<hbm>>)
    %multiple_of3A_55 = tpu.assume_multiple %mul3A_2, 256 : i32
    %dma_wait3A_56 = arith.constant 0 : i32
    %dma_wait3A_57 = tpu.memref_slice %arg5[%multiple_of3A_55, %dma_wait3A_56] : memref<819200x64xf32, #tpu.memory_space<hbm>> -> memref<256x64xf32, #tpu.memory_space<hbm>>
    %dma_wait3A_58 = arith.constant 0 : i32
    %dma_wait3A_59 = tpu.memref_slice %arg5[%multiple_of3A_55, %dma_wait3A_58] : memref<819200x64xf32, #tpu.memory_space<hbm>> -> memref<256x64xf32, #tpu.memory_space<hbm>>
    tpu.wait_dma2 semaphore(%arg17 : memref<!tpu.dma_semaphore, #tpu.memory_space<semaphore_mem>>) src(%arg9 : memref<256x64xf32, #tpu.memory_space<vmem>>) dst(%dma_wait3A_59 : memref<256x64xf32, #tpu.memory_space<hbm>>)
    %multiple_of3A_60 = tpu.assume_multiple %mul3A_2, 256 : i32
    %dma_wait3A_61 = arith.constant 0 : i32
    %dma_wait3A_62 = tpu.memref_slice %arg5[%multiple_of3A_60, %dma_wait3A_61] : memref<819200x64xf32, #tpu.memory_space<hbm>> -> memref<256x64xf32, #tpu.memory_space<hbm>>
    %dma_wait3A_63 = arith.constant 0 : i32
    %dma_wait3A_64 = tpu.memref_slice %arg5[%multiple_of3A_60, %dma_wait3A_63] : memref<819200x64xf32, #tpu.memory_space<hbm>> -> memref<256x64xf32, #tpu.memory_space<hbm>>
    tpu.wait_dma2 semaphore(%arg18 : memref<!tpu.dma_semaphore, #tpu.memory_space<semaphore_mem>>) src(%arg10 : memref<256x64xf32, #tpu.memory_space<vmem>>) dst(%dma_wait3A_64 : memref<256x64xf32, #tpu.memory_space<hbm>>)
    %multiple_of3A_65 = tpu.assume_multiple %mul3A_2, 256 : i32
    %dma_wait3A_66 = arith.constant 0 : i32
    %dma_wait3A_67 = tpu.memref_slice %arg5[%multiple_of3A_65, %dma_wait3A_66] : memref<819200x64xf32, #tpu.memory_space<hbm>> -> memref<256x64xf32, #tpu.memory_space<hbm>>
    %dma_wait3A_68 = arith.constant 0 : i32
    %dma_wait3A_69 = tpu.memref_slice %arg5[%multiple_of3A_65, %dma_wait3A_68] : memref<819200x64xf32, #tpu.memory_space<hbm>> -> memref<256x64xf32, #tpu.memory_space<hbm>>
    tpu.wait_dma2 semaphore(%arg19 : memref<!tpu.dma_semaphore, #tpu.memory_space<semaphore_mem>>) src(%arg11 : memref<256x64xf32, #tpu.memory_space<vmem>>) dst(%dma_wait3A_69 : memref<256x64xf32, #tpu.memory_space<hbm>>)
    return
  }
}

</mosaic_0001>

<sc_bundles>
// kernel: kernel.3.cloned.1.call-start
scs
__scs_entry_jumppad:
0x0: {  	(pc) =	sbr.rel $0x88, $3  }
0x1: {  	(tag) =	ssettag $0x0;
	lr =	simm.s32 $0x1  }
0x2: {  	[smem:$0x3F9E] =	sst lr;
	_ =	strace $0xD0000000  }
0x3: {  	_ = 	snop  }
0x4: {  	_ = 	snop  }
0x5: {  	_ = 	snop  }
0x6: {  	_ = 	snop  }
0x7: {  	_ = 	snop  }
__scs_overlays_trampoline_lowered:
0x8: {  	[smem:$0x3FAD] =	sst s0  }
0x9: {  	[smem:$0x3FAE] =	sst s1  }
0xa: {  	[smem:$0x3FAF] =	sst s2  }
0xb: {  	[smem:$0x3FB0] =	sst s3  }
0xc: {  	[smem:$0x3FB1] =	sst s4  }
0xd: {  	[smem:$0x3FB2] =	sst s5  }
0xe: {  	[smem:$0x3FB3] =	sst s6  }
0xf: {  	[smem:$0x3FB4] =	sst s7  }
0x10: {  	[smem:$0x3FB5] =	sst s8  }
0x11: {  	[smem:$0x3FB6] =	sst s9;
	s0 =	simm.s32 @!p0 $0x0  }
0x12: {  	s1 =	sld [smem:$0x3F9C];
	s0 =	simm.s32 @p0 $0x1  }
0x13: {  	[smem:$0x3FB7] =	sst s0;
	s0 =	simm.s32 @!p1 $0x0  }
0x14: {  	s2 =	sld [smem:$0x3F9B];
	s0 =	simm.s32 @p1 $0x1  }
0x15: {  	[smem:$0x3FB8] =	sst s0;
	s0 =	simm.s32 @!p2 $0x0  }
0x16: {  	s3 =	sld [smem:$0x3FDB];
	s0 =	simm.s32 @p2 $0x1  }
0x17: {  	s4 =	simm.s32 $0x1BF5;
	[smem:$0x3FBA] =	sst s0  }
0x18: {  	s0 =	sld [smem:$0x3F9D];
	_ =	swait.ge [sflag:s4], $0x0  }
0x19: {  	s7 =	sld [smem:$0x3F9E]  }
0x1a: {  	s8 =	sadd.s32 $0xFFFFE003, lr  }
0x1b: {  	s9 =	sadd.s32 $0xFFFFFEF7, lr;
	s5 =	simm.s32 $0xFFFFFFFF;
	p2 =	slt.u32 s8, $0xFFFFF086  }
0x1c: {  	p1 =	slt.u32 s9, $0xF7A;
	s5 =	simm.s32 @!p2 $0x0  }
0x1d: {  	s5 =	simm.s32 @p1 $0x1;
	p0 =	seq.s32 s7, s2  }
0x1e: {  	s7 =	smul.u32 @!p0 $0xF7A, s2;
	p2 =	seq.s32 @!p0 s5, $0x0  }
0x1f: {  	s9 =	smul.u32 $0xF7A, s1;
	s8 =	simm.s32 @!p0 $0x1BF5;
	p2 =	por !p2, p0  }
0x20: {  	[sflag:s8] =	ssyncset.s32 @!p0 $0xFFFFF086;
	s6 =	sadd.s32 @!p0 s3, s7;
	s7 =	simm.s32 @!p0 $0x108  }
0x21: {  	s3 =	sadd.s32 s3, s9;
	s6 =	sadd.s32 @!p0 $0x88, s6;
	s7 =	simm.s32 @p2 $0x1082  }
0x22: {  	[simem:s7], [sflag:s8] =	dma.local @!p0 [hbm:s6], $0xF7A  }
0x23: {  	s9 =	sor.u32 $0xD0000000, s2;
	s6 =	simm.s32 $0x108;
	_ =	swait.ge @!p0 [sflag:s8], $0x0  }
0x24: {  	s3 =	sadd.s32 $0x88, s3;
	s6 =	simm.s32 @!p1 $0x1082;
	[sflag:s4] =	ssyncset.s32 $0xFFFFF086  }
0x25: {  	[simem:s6], [sflag:s4] =	dma.local [hbm:s3], $0xF7A  }
0x26: {  	[smem:$0x3F9E] =	sst s1;
	(tag) =	ssettag s2;
	_ =	strace s9  }
0x27: {  	s1 =	sld [smem:$0x3FAE]  }
0x28: {  	s2 =	sld [smem:$0x3FAF]  }
0x29: {  	s4 =	sld [smem:$0x3FB1]  }
0x2a: {  	p0 =	seq.s32 s5, $0x0;
	s5 =	sld [smem:$0x3FB2]  }
0x2b: {  	s6 =	sld [smem:$0x3FB3]  }
0x2c: {  	s7 =	sld [smem:$0x3FB4]  }
0x2d: {  	s3 =	simm.s32 $0x108;
	s8 =	sld [smem:$0x3FB5]  }
0x2e: {  	s3 =	simm.s32 @!p0 $0x1082;
	s9 =	sld [smem:$0x3FB6]  }
0x2f: {  	lr =	sadd.s32 s0, s3;
	s0 =	sld [smem:$0x3FAD]  }
0x30: {  	s3 =	sld [smem:$0x3FB0]  }
0x31: {  	[smem:$0x3FB9] =	sst s10  }
0x32: {  	s10 =	sld [smem:$0x3FB7];
	_ =	sdelay $0x3  }
0x33: {  	p0 =	seq.s32 s10, $0x1;
	s10 =	sld [smem:$0x3FB9];
	_ =	sdelay $0x3  }
0x34: {  	[smem:$0x3FB9] =	sst s10  }
0x35: {  	s10 =	sld [smem:$0x3FB8];
	_ =	sdelay $0x3  }
0x36: {  	p1 =	seq.s32 s10, $0x1;
	s10 =	sld [smem:$0x3FB9];
	_ =	sdelay $0x3  }
0x37: {  	[smem:$0x3FB9] =	sst s10  }
0x38: {  	s10 =	sld [smem:$0x3FBA]  }
0x39: {  	_ = 	snop;
	(pc) =	sbr.ind lr, $3  }
0x3a: {  	_ = 	snop  }
0x3b: {  	_ = 	snop  }
0x3c: {  	p2 =	seq.s32 s10, $0x1;
	s10 =	sld [smem:$0x3FB9]  }
0x3d: {  	_ =	shalt  }
0x3e: {  	_ =	shalt  }
0x3f: {  	_ =	shalt  }
0x40: {  	_ =	shalt  }
0x41: {  	_ =	shalt  }
0x42: {  	_ =	shalt  }
0x43: {  	_ =	shalt  }
0x44: {  	_ =	shalt  }
0x45: {  	_ =	shalt  }
0x46: {  	_ =	shalt  }
0x47: {  	_ =	shalt  }
0x48: {  	_ =	shalt  }
0x49: {  	_ =	shalt  }
0x4a: {  	_ =	shalt  }
0x4b: {  	_ =	shalt  }
0x4c: {  	_ =	shalt  }
0x4d: {  	_ =	shalt  }
0x4e: {  	_ =	shalt  }
0x4f: {  	_ =	shalt  }
0x50: {  	_ =	shalt  }
0x51: {  	_ =	shalt  }
0x52: {  	_ =	shalt  }
0x53: {  	_ =	shalt  }
0x54: {  	_ =	shalt  }
0x55: {  	_ =	shalt  }
0x56: {  	_ =	shalt  }
0x57: {  	_ =	shalt  }
0x58: {  	_ =	shalt  }
0x59: {  	_ =	shalt  }
0x5a: {  	_ =	shalt  }
0x5b: {  	_ =	shalt  }
0x5c: {  	_ =	shalt  }
0x5d: {  	_ =	shalt  }
0x5e: {  	_ =	shalt  }
0x5f: {  	_ =	shalt  }
0x60: {  	_ =	shalt  }
0x61: {  	_ =	shalt  }
0x62: {  	_ =	shalt  }
0x63: {  	_ =	shalt  }
0x64: {  	_ =	shalt  }
0x65: {  	_ =	shalt  }
0x66: {  	_ =	shalt  }
0x67: {  	_ =	shalt  }
0x68: {  	_ =	shalt  }
0x69: {  	_ =	shalt  }
0x6a: {  	_ =	shalt  }
0x6b: {  	_ =	shalt  }
0x6c: {  	_ =	shalt  }
0x6d: {  	_ =	shalt  }
0x6e: {  	_ =	shalt  }
0x6f: {  	_ =	shalt  }
0x70: {  	_ =	shalt  }
0x71: {  	_ =	shalt  }
0x72: {  	_ =	shalt  }
0x73: {  	_ =	shalt  }
0x74: {  	_ =	shalt  }
0x75: {  	_ =	shalt  }
0x76: {  	_ =	shalt  }
0x77: {  	_ =	shalt  }
0x78: {  	_ =	shalt  }
0x79: {  	_ =	shalt  }
0x7a: {  	_ =	shalt  }
0x7b: {  	_ =	shalt  }
0x7c: {  	_ =	shalt  }
0x7d: {  	_ =	shalt  }
0x7e: {  	_ =	shalt  }
0x7f: {  	_ =	shalt  }
0x80: {  	_ =	shalt  }
0x81: {  	_ =	shalt  }
0x82: {  	_ =	shalt  }
0x83: {  	_ =	shalt  }
0x84: {  	_ =	shalt  }
0x85: {  	_ =	shalt  }
0x86: {  	_ =	shalt  }
0x87: {  	_ =	shalt  }
.Lfunc_end0:
.L_simem_size_0:
called_computation.1_lowered:
.L_overlay_start_0:
0x88: {  	s2 =	sld [smem:$0x3FD9]  }
0x89: {  	s3 =	sld [smem:$0x3FFE];
	_ =	sdelay $0x1  }
0x8a: {  	s1 =	srdreg.scid  }
0x8b: {  	s0 =	sand.u32 $0x1, s1  }
0x8c: {  	s17 =	sshll.u32 s0, $0xA;
	s2 =	sadd.s32 s3, s2  }
0x8d: {  	s2 =	sadd.s32 s2, s17  }
0x8e: {  	[smem:$0x3FC5] =	sst s2  }
0x8f: {  	_ = 	snop  }
0x90: {  	s2 =	sld [smem:$0x3FD0];
	(tm) =	ssettm $0x1  }
0x91: {  	s18 =	sld [smem:$0x3FFB];
	_ =	sdelay $0x3  }
0x92: {  	_ =	strace s18  }
0x93: {  	s3 =	sld [smem:$0x3FFC];
	_ =	sdelay $0x3  }
0x94: {  	_ =	strace s3  }
0x95: {  	s3 =	sld [smem:$0x3FFD];
	_ =	sdelay $0x3  }
0x96: {  	_ =	strace s3  }
0x97: {  	_ =	strace $0x8FFFFFFF  }
0x98: {  	s19 =	sld [smem:$0x3FDB];
	_ =	sdelay $0x1  }
0x99: {  	s4 =	simm.s32 $_scs_section_size  }
0x9a: {  	s5 =	simm.s32 $_size__tile_overlayer_lowered;
	s6 =	simm.s32 $_tile_overlayer_lowered  }
0x9b: {  	s22 =	simm.s32 $0x1BFF;
	s21 =	sshll.u32 s6, $0x1;
	s3 =	sadd.s32 s4, s19  }
0x9c: {  	s7 =	simm.s32 $0x0;
	s20 =	sshll.u32 s5, $0x1;
	s5 =	sadd.s32 s21, s3  }
0x9d: {  	[timem:s7], [sflag:s22] =	dma.local [hbm:s5], s20  }
0x9e: {  	_ =	swait.ge [sflag:s22], s20  }
0x9f: {  	s4 =	ssub.s32 $0x0, s20;
	[sflag:s22] =	ssyncset.done $0x0  }
0xa0: {  	[sflag:s22] =	ssyncadd.s32 s4;
	_ =	sdelay $0x1  }
0xa1: {  	s23 =	simm.s32 $0x1B8B  }
0xa2: {  	_ =	swait.ge [sflag:s23], $0x1  }
0xa3: {  	[sflag:s23] =	ssyncset.done $0x0  }
0xa4: {  	s25 =	simm.s32 $0x1B8E;
	s24 =	sld [smem:$0x3FFE];
	[sflag:s23] =	ssyncadd.s32 $0xFFFFFFFF  }
0xa5: {  	s26 =	simm.s32 $execute0_lowered;
	[smem:$0x3FD2] =	sst s25  }
0xa6: {  	s5 =	sshll.u32 s26, $0x1;
	_ =	strace $0x80000046;
	[dreg:$0x1] =	wrdreg $0xFFFFFFFF  }
0xa7: {  	s28 =	simm.s32 $_size_execute0_lowered;
	s3 =	sadd.s32 s3, s5;
	[dreg:$0x0] =	wrdreg $0x0  }
0xa8: {  	s5 =	sshll.u32 s28, $0x1;
	[dreg:$0x2] =	wrdreg s3  }
0xa9: {  	[dreg:$0x3] =	wrdreg s5  }
0xaa: {  	[dreg:$0x4] =	wrdreg $0xC0  }
0xab: {  	_ =	task [dreg:s7], $0x5FFFF  }
0xac: {  	[dreg:$0x1] =	wrdreg $0xFFFFFFFF  }
0xad: {  	[dreg:$0x0] =	wrdreg $0x60  }
0xae: {  	[dreg:$0x2] =	wrdreg s24  }
0xaf: {  	[dreg:$0x3] =	wrdreg s2  }
0xb0: {  	[dreg:$0x4] =	wrdreg $0x9  }
0xb1: {  	_ =	task.clear_ibuf [dreg:s7], $0x5FFFF;
	_ =	strace $0x90000046  }
0xb2: {  	s29 =	simm.s32 $0x9;
	_ =	strace $0x80000048  }
0xb3: {  	_ =	swait.ge [sflag:s29], $0x1  }
0xb4: {  	[sflag:s29] =	ssyncadd.s32 $0xFFFFFFFF  }
0xb5: {  	_ =	strace $0x90000048  }
0xb6: {  	_ =	sfence  }
0xb7: {  	s30 =	sld [smem:$0x0];
	_ =	sdelay $0x2  }
0xb8: {  	s31 =	sshll.u32 s1, $0xD;
	s1 =	sshrl.u32 s1, $0x2  }
0xb9: {  	s3 =	sand.u32 $0x4000, s31;
	s1 =	sadd.s32 s1, s30  }
0xba: {  	s0 =	sor.u32 s3, s0;
	s1 =	sshll.u32 s1, $0x11  }
0xbb: {  	s0 =	sor.u32 s1, s0  }
0xbc: {  	s0 =	sadd.s32 $0x8F2B, s0  }
0xbd: {  	[sflag:s0] =	ssyncadd.remote.s32 $0x1  }
0xbe: {  	_ =	sfence.sel $0xFFFF  }
0xbf: {  	[dreg:$0x0] =	wrdreg $0xFFFFFFFF;
	(pc) =	sbr.abs _section_cstart, $3  }
0xc0: {  	[dreg:$0x1] =	wrdreg $0xFFFFFFFF  }
0xc1: {  	_ =	task.clear_ibuf [dreg:s7], $0x2FFFF;
	_ =	strace $0x9FFFFFFF  }
0xc2: {  	(tm) =	ssettm $0x7FFFFFFF  }
0xc3: {  	_ =	shalt  }
tec
execute0_lowered:
.L_overlay_start_1:
0x0: {  	(tag) =	ssettag $0x1  }
0x1: {  	s0 =	srdreg.scid;
	s1 =	rddreg [dreg:$0x0]  }
0x2: {  	s5 =	stileid.u32;
	s3 =	rddreg [dreg:$0x1]  }
0x3: {  	s12 =	simm.s32 $0x9;
	s13 =	simm.s32 $0x80;
	s14 =	simm.s32 $0x6410  }
0x4: {  	s29 =	simm.s32 $0xC410;
	s16 =	simm.s32 $0xA410;
	s17 =	simm.s32 $0x1  }
0x5: {  	s18 =	simm.s32 $0xE410;
	s30 =	simm.s32 $0x10410;
	s19 =	simm.s32 $0x2  }
0x6: {  	s31 =	simm.s32 $0x14410;
	s0 =	sand.u32 $0x1, s0;
	s2 =	sshll.u32 s5, $0x1  }
0x7: {  	s20 =	simm.s32 $0x12410;
	s4 =	sor.u32 s0, s2;
	s2 =	simm.s32 $0x0  }
0x8: {  	s28 =	simm.s32 $0x0;
	s21 =	sadd.s32 $0x19A00, s1;
	[smem:$0x7FF] =	sst s2  }
0x9: {  	s5 =	smul.u32 $0x320000, s5;
	_ =	strace $0x80000047;
	[dreg:$0x6] =	wrdreg s21  }
0xa: {  	s6 =	ssub.s32 $0x2, s0;
	s0 =	smul.u32 $0x190000, s0;
	[dreg:$0x3] =	wrdreg s29  }
0xb: {  	s4 =	smul.u32 $0xC80, s4;
	s8 =	sshrl.u32 s6, $0x1;
	[dreg:$0x4] =	wrdreg s30  }
0xc: {  	s22 =	ssub.s32 s6, s8;
	s0 =	sadd.s32 s0, s5;
	[dreg:$0x5] =	wrdreg s31  }
0xd: {  	s21 =	simm.s32 $0x3;
	s7 =	sadd.s32 s4, s1;
	s4 =	sadd.s32 $0xF43000, s1  }
0xe: {  	s1 =	smax.u32 s22, $0x1;
	s24 =	sshrl.u32 s0, $0x3;
	s25 =	sor.u32 $0xC000, s0  }
0xf: {  	s26 =	sor.u32 $0x8000, s0;
	s0 =	sor.u32 $0x4000, s0;
	s22 =	simm.s32 $0x4  }
0x10: {  	s23 =	sadd.s32 $0xA00, s7;
	[dreg:$0x8] =	wrdreg s1;
	s7 =	sadd.s32 s24, s3  }
0x11: {  	s1 =	sshrl.u32 s25, $0x3;
	s5 =	sshrl.u32 s26, $0x3;
	s0 =	sshrl.u32 s0, $0x3  }
0x12: {  	s25 =	simm.s32 $0x7;
	s26 =	simm.s32 $0x8;
	[dreg:$0x7] =	wrdreg s23  }
0x13: {  	v0 =	vlaneseq.u32;
	s15 =	sadd.s32 s1, s3;
	s9 =	sadd.s32 s5, s3;
	s10 =	sadd.s32 s0, s3  }
.LBB2_1:
0x14: {  	s0 =	rddreg [dreg:$0x6];
	s1 =	simm.s32 $0x6400;
	s6 =	simm.s32 $0x0  }
0x15: {  	[tilespmem:s1], [sflag:$0x9] =	stream.linear.gather [hbm4b:s0+s2], $0x10, $0x38;
	[tilespmem:$0x16410] =	vst v63  }
0x16: {  	s8 =	simm.s32 $0x10;
	v4 =	vor.u32 s6, v0;
	_ =	swait.ge [sflag:s12], $0x10  }
0x17: {  	s11 =	simm.s32 $0x30;
	s23 =	simm.s32 $0x40;
	v5 =	vor.u32 s8, v0;
	v6 =	vmulhi.u32 $0x51EB851F, v4;
	[sflag:s12] =	ssyncset.done $0x0  }
0x18: {  	s24 =	simm.s32 $0x50;
	v7 =	vor.u32 s11, v0;
	v9 =	vmulhi.u32 $0x51EB851F, v5;
	s5 =	rddreg [dreg:$0x7];
	[sflag:s12] =	ssyncadd.s32 $0xFFFFFFF0  }
0x19: {  	v10 =	vor.u32 s23, v0;
	v12 =	vmulhi.u32 $0x51EB851F, v7;
	v1 =	vld [tilespmem:$0x6400];
	[tilespmem:s2], [sflag:$0x9] =	stream.linear.gather [hbm4b:s5+s2], $0x6400, $0x38  }
0x1a: {  	s3 =	simm.s32 $0x20;
	v14 =	vor.u32 s24, v0;
	v15 =	vmulhi.u32 $0x51EB851F, v10;
	_ =	swait.ge [sflag:s12], $0x6400  }
0x1b: {  	s30 =	simm.s32 $0x60;
	v17 =	vor.u32 s3, v0;
	v18 =	vmulhi.u32 $0x51EB851F, v14;
	[sflag:s12] =	ssyncset.done $0x0  }
0x1c: {  	s29 =	simm.s32 $0x40;
	v2 =	vor.u32 s30, v0;
	v21 =	vmulhi.u32 $0x51EB851F, v17;
	v6 =	vshrl.u32 v6, $0x6;
	[sflag:s12] =	ssyncadd.s32 $0xFFFF9C00  }
0x1d: {  	v22 =	vmulhi.u32 $0x51EB851F, v2;
	v18 =	vshrl.u32 v18, $0x6;
	v6 =	vmul.u32 $0xC8, v6;
	v3 =	vld [tilespmem:s29+$0xFFFFFFE0]  }
0x1e: {  	s31 =	simm.s32 $0x70;
	v12 =	vshrl.u32 v12, $0x6;
	v9 =	vshrl.u32 v9, $0x6;
	v18 =	vmul.u32 $0xC8, v18;
	v8 =	vld [tilespmem:s29+$0xFFFFFFD0]  }
0x1f: {  	v9 =	vmul.u32 $0xC8, v9;
	v4 =	vsub.s32 v4, v6;
	v6 =	vor.u32 s31, v0;
	v11 =	vld [tilespmem:s29+$0x30]  }
0x20: {  	v12 =	vmul.u32 $0xC8, v12;
	v59 =	vmulhi.u32 $0x51EB851F, v6;
	v54 =	vld [tilespmem:s29+$0x10]  }
0x21: {  	v60 =	vshrl.u32 v21, $0x6;
	v57 =	vsub.s32 v14, v18;
	v5 =	vsub.s32 v5, v9;
	v19 =	vld [tilespmem:s29+$0xFFFFFFC0]  }
0x22: {  	v7 =	vsub.s32 v7, v12;
	v16 =	vld [tilespmem:s29+$0x0];
	vm12 =	vlt.s32 v4, v1;
	v4 =	vshrl.u32 v59, $0x6  }
0x23: {  	vm1 =	vlt.s32 v57, v1;
	vm13 =	vlt.s32 v5, v1;
	v62 =	vmul.u32 $0xC8, v4  }
0x24: {  	v20 =	vadd.s32 $0x1, v3;
	v3 =	vshrl.u32 v15, $0x6;
	v8 =	vadd.s32 $0x1, v8  }
0x25: {  	v11 =	vadd.s32 $0x1, v11;
	v58 =	vadd.s32 $0x1, v54;
	v15 =	vmul.u32 $0xC8, v60  }
0x26: {  	v13 =	vld [tilespmem:s29+$0xFFFFFFF0];
	v56 =	vadd.s32 $0x1, v19;
	v23 =	vmul.u32 $0xC8, v3;
	v14 =	vnsel vm1, $0x0, v58  }
0x27: {  	v55 =	vadd.s32 $0x1, v16;
	v61 =	vnsel vm12, $0x0, v56;
	[tilespmem:s29+$0x10] =	vst v14;
	v5 =	vsub.s32 v17, v15  }
0x28: {  	v4 =	vld [tilespmem:s29+$0x20];
	v8 =	vnsel vm13, $0x0, v8;
	[tilespmem:s29+$0xFFFFFFC0] =	vst v61;
	v10 =	vsub.s32 v10, v23;
	vm14 =	vlt.s32 v5, v1  }
0x29: {  	[tilespmem:s29+$0xFFFFFFD0] =	vst v8;
	v5 =	vsub.s32 v6, v62;
	vm0 =	vlt.s32 v10, v1;
	v8 =	vnsel vm14, $0x0, v20  }
0x2a: {  	v6 =	vshrl.u32 v22, $0x6;
	vm15 =	vlt.s32 v5, v1;
	v63 =	vnsel vm0, $0x0, v55;
	[tilespmem:s29+$0xFFFFFFE0] =	vst v8  }
0x2b: {  	s0 =	simm.s32 $0xF0;
	s1 =	simm.s32 $0xC0;
	v3 =	vadd.s32 $0x1, v13;
	v6 =	vmul.u32 $0xC8, v6;
	v5 =	vnsel vm15, $0x0, v11;
	[tilespmem:s29+$0x0] =	vst v63  }
.LBB2_2:
0x2c: {  	s5 =	sadd.s32 $0xFFFFFF90, s0  }
0x2d: {  	s8 =	sadd.s32 $0xFFFFFFA0, s0;
	s11 =	sadd.s32 $0xFFFFFFB0, s0;
	v8 =	vld [tilespmem:s1+$0xFFFFFFE0];
	vm0 =	vlt.s32 v7, v1;
	v6 =	vsub.s32 v2, v6;
	v4 =	vadd.s32 $0x1, v4;
	s3 =	smov.u32 s0  }
0x2e: {  	s30 =	sadd.s32 $0xFFFFFFE0, s0;
	v7 =	vor.u32 s5, v0;
	v9 =	vor.u32 s8, v0;
	s5 =	sadd.s32 $0xFFFFFFC0, s0;
	s8 =	sadd.s32 $0xFFFFFFD0, s0;
	v10 =	vld [tilespmem:s1+$0x0];
	v2 =	vnsel vm0, $0x0, v3;
	[tilespmem:s29+$0x30] =	vst v5  }
0x2f: {  	p0 =	sne.s32 s0, $0x63F0;
	s0 =	sadd.s32 $0x80, s0;
	v3 =	vmulhi.u32 $0x51EB851F, v7;
	v5 =	vor.u32 s5, v0;
	v11 =	vor.u32 s8, v0;
	s5 =	sadd.s32 $0xFFFFFFF0, s3;
	v12 =	vld [tilespmem:s1+$0x30];
	[tilespmem:s29+$0xFFFFFFF0] =	vst v2  }
0x30: {  	vm0 =	vlt.s32 v6, v1;
	v14 =	vmulhi.u32 $0x51EB851F, v9;
	v13 =	vld [tilespmem:s1+$0xFFFFFFD0];
	v2 =	vor.u32 s5, v0  }
0x31: {  	v16 =	vor.u32 s30, v0;
	v4 =	vnsel vm0, $0x0, v4;
	v15 =	vmulhi.u32 $0x51EB851F, v5;
	v6 =	vld [tilespmem:s1+$0xFFFFFFF0]  }
0x32: {  	v18 =	vmulhi.u32 $0x51EB851F, v11;
	v17 =	vld [tilespmem:s1+$0xFFFFFFC0];
	v8 =	vadd.s32 $0x1, v8;
	[tilespmem:s29+$0x20] =	vst v4;
	s29 =	smov.u32 s1  }
0x33: {  	v19 =	vor.u32 s11, v0;
	v4 =	vshrl.u32 v15, $0x6;
	v15 =	vmulhi.u32 $0x51EB851F, v16  }
0x34: {  	v20 =	vmulhi.u32 $0x51EB851F, v19;
	v21 =	vmul.u32 $0xC8, v4;
	v4 =	vshrl.u32 v18, $0x6;
	v18 =	vld [tilespmem:s1+$0x10]  }
0x35: {  	v22 =	vmulhi.u32 $0x51EB851F, v2;
	v15 =	vshrl.u32 v15, $0x6;
	v13 =	vadd.s32 $0x1, v13  }
0x36: {  	v4 =	vmul.u32 $0xC8, v4;
	v12 =	vadd.s32 $0x1, v12;
	v15 =	vmul.u32 $0xC8, v15  }
0x37: {  	v23 =	vshrl.u32 v3, $0x6;
	v3 =	vadd.s32 $0x1, v6;
	v6 =	vadd.s32 $0x1, v10  }
0x38: {  	v10 =	vmul.u32 $0xC8, v23;
	v4 =	vsub.s32 v11, v4;
	v17 =	vadd.s32 $0x1, v17  }
0x39: {  	vm0 =	vlt.s32 v4, v1;
	v4 =	vsub.s32 v16, v15;
	v11 =	vadd.s32 $0x1, v18  }
0x3a: {  	v7 =	vsub.s32 v7, v10;
	vm1 =	vlt.s32 v4, v1;
	v10 =	vor.u32 s3, v0  }
0x3b: {  	v4 =	vshrl.u32 v14, $0x6;
	v14 =	vmulhi.u32 $0x51EB851F, v10;
	v11 =	vnsel vm1, $0x0, v11  }
0x3c: {  	v4 =	vmul.u32 $0xC8, v4;
	vm1 =	vlt.s32 v7, v1;
	v7 =	vshrl.u32 v20, $0x6;
	[tilespmem:s1+$0x10] =	vst v11  }
0x3d: {  	v7 =	vmul.u32 $0xC8, v7;
	v14 =	vshrl.u32 v14, $0x6;
	v11 =	vnsel vm1, $0x0, v17  }
.Ltmp0:
0x3e: {  	v6 =	vnsel vm0, $0x0, v6;
	v9 =	vsub.s32 v9, v4;
	[tilespmem:s1+$0xFFFFFFC0] =	vst v11;
	v4 =	vld [tilespmem:s1+$0x20];
	v11 =	vmul.u32 $0xC8, v14;
	(pc) =	sbr.rel @p0 .LBB2_2-.Ltmp0, $4  }
0x3f: {  	vm0 =	vlt.s32 v9, v1;
	v7 =	vsub.s32 v19, v7;
	[tilespmem:s1+$0x0] =	vst v6;
	v6 =	vshrl.u32 v22, $0x6  }
0x40: {  	v9 =	vnsel vm0, $0x0, v13;
	vm0 =	vlt.s32 v7, v1;
	v7 =	vsub.s32 v10, v11  }
0x41: {  	v8 =	vnsel vm0, $0x0, v8;
	v6 =	vmul.u32 $0xC8, v6;
	[tilespmem:s1+$0xFFFFFFD0] =	vst v9;
	vm0 =	vlt.s32 v7, v1  }
0x42: {  	v7 =	vsub.s32 v5, v21;
	s1 =	sadd.s32 $0x80, s1;
	[tilespmem:s29+$0xFFFFFFE0] =	vst v8;
	v5 =	vnsel vm0, $0x0, v12  }
0x43: {  	vm0 =	vlt.s32 v7, v1;
	v2 =	vsub.s32 v2, v6  }
0x44: {  	v4 =	vadd.s32 $0x1, v4;
	[tilespmem:s29+$0x30] =	vst v5;
	v3 =	vnsel vm0, $0x0, v3;
	vm15 =	vlt.s32 v2, v1  }
0x45: {  	p0 =	por $0x1, $0x1;
	[tilespmem:s29+$0xFFFFFFF0] =	vst v3;
	v1 =	vnsel vm15, $0x0, v4  }
0x46: {  	s0 =	simm.s32 $0x0;
	p0 =	por p0, p0;
	[tilespmem:s29+$0x20] =	vst v1  }
0x47: {  	[tilespmem:s14], [sflag:$0x1] =	stream.indirect.gather [hbm4b:s4+s13], $0x40, s0, s13, $0xb8;
	[tilespmem:$0x16410] =	vst v63  }
0x48: {  	s23 =	simm.s32 $0x8410;
	s0 =	simm.s32 @!p0 $0x6  }
0x49: {  	[tilespmem:s23], [sflag:$0x1] =	stream.indirect.gather [hbm4b:s4+s13], $0x40, s13, s13, $0xb8;
	[tilespmem:$0x16410] =	vst v63  }
0x4a: {  	_ =	swait.ge @!p0 [sflag:s0], $0x4000  }
0x4b: {  	[sflag:s0] =	ssyncset.done @!p0 $0x0  }
0x4c: {  	s24 =	simm.s32 $0x100;
	[sflag:s0] =	ssyncadd.s32 @!p0 $0xFFFFC000  }
0x4d: {  	[tilespmem:s16], [sflag:$0x2] =	stream.indirect.gather [hbm4b:s4+s13], $0x40, s24, s13, $0xb8;
	[tilespmem:$0x16410] =	vst v63  }
0x4e: {  	s3 =	simm.s32 $0x180;
	s1 =	rddreg [dreg:$0x3]  }
0x4f: {  	[tilespmem:s1], [sflag:$0x2] =	stream.indirect.gather [hbm4b:s4+s13], $0x40, s3, s13, $0xb8;
	[tilespmem:$0x16410] =	vst v63  }
0x50: {  	_ =	swait.ge [sflag:s17], $0x2000  }
0x51: {  	[sflag:s17] =	ssyncset.done $0x0  }
0x52: {  	[sflag:s17] =	ssyncadd.s32 $0xFFFFE000  }
0x53: {  	_ =	swait.ge [sflag:s17], $0x2000  }
0x54: {  	[sflag:s17] =	ssyncset.done $0x0  }
0x55: {  	s0 =	simm.s32 @!p0 $0x7;
	[sflag:s17] =	ssyncadd.s32 $0xFFFFE000  }
0x56: {  	[hbm4b:s7+s2] =	stream.linear.scatter [tilespmem:s14], [sflag:$0x5], $0x4000, $0x38;
	[tilespmem:$0x16410] =	vst v63  }
0x57: {  	_ =	swait.ge @!p0 [sflag:s0], $0x4000  }
0x58: {  	[sflag:s0] =	ssyncset.done @!p0 $0x0  }
0x59: {  	s5 =	simm.s32 $0x200;
	[sflag:s0] =	ssyncadd.s32 @!p0 $0xFFFFC000  }
0x5a: {  	[tilespmem:s18], [sflag:$0x3] =	stream.indirect.gather [hbm4b:s4+s13], $0x40, s5, s13, $0xb8;
	[tilespmem:$0x16410] =	vst v63  }
0x5b: {  	s8 =	simm.s32 $0x280;
	s6 =	rddreg [dreg:$0x4]  }
0x5c: {  	[tilespmem:s6], [sflag:$0x3] =	stream.indirect.gather [hbm4b:s4+s13], $0x40, s8, s13, $0xb8;
	[tilespmem:$0x16410] =	vst v63  }
0x5d: {  	_ =	swait.ge [sflag:s19], $0x2000  }
0x5e: {  	[sflag:s19] =	ssyncset.done $0x0  }
0x5f: {  	[sflag:s19] =	ssyncadd.s32 $0xFFFFE000  }
0x60: {  	_ =	swait.ge [sflag:s19], $0x2000  }
0x61: {  	[sflag:s19] =	ssyncset.done $0x0  }
0x62: {  	s0 =	simm.s32 @!p0 $0x8;
	[sflag:s19] =	ssyncadd.s32 $0xFFFFE000  }
0x63: {  	[hbm4b:s10+s2] =	stream.linear.scatter [tilespmem:s16], [sflag:$0x6], $0x4000, $0x38;
	[tilespmem:$0x16410] =	vst v63  }
0x64: {  	_ =	swait.ge @!p0 [sflag:s0], $0x4000  }
0x65: {  	[sflag:s0] =	ssyncset.done @!p0 $0x0  }
0x66: {  	s11 =	simm.s32 $0x300;
	[sflag:s0] =	ssyncadd.s32 @!p0 $0xFFFFC000  }
0x67: {  	[tilespmem:s20], [sflag:$0x4] =	stream.indirect.gather [hbm4b:s4+s13], $0x40, s11, s13, $0xb8;
	[tilespmem:$0x16410] =	vst v63  }
0x68: {  	s24 =	simm.s32 $0x380;
	s23 =	rddreg [dreg:$0x5]  }
0x69: {  	[tilespmem:s23], [sflag:$0x4] =	stream.indirect.gather [hbm4b:s4+s13], $0x40, s24, s13, $0xb8;
	[tilespmem:$0x16410] =	vst v63  }
0x6a: {  	_ =	swait.ge [sflag:s21], $0x2000  }
0x6b: {  	[sflag:s21] =	ssyncset.done $0x0  }
0x6c: {  	[sflag:s21] =	ssyncadd.s32 $0xFFFFE000  }
0x6d: {  	_ =	swait.ge [sflag:s21], $0x2000  }
0x6e: {  	p0 =	por $0x0, $0x0;
	[sflag:s21] =	ssyncset.done $0x0  }
0x6f: {  	s0 =	simm.s32 @!p0 $0x5;
	[sflag:s21] =	ssyncadd.s32 $0xFFFFE000  }
0x70: {  	[hbm4b:s9+s2] =	stream.linear.scatter [tilespmem:s18], [sflag:$0x7], $0x4000, $0x38;
	[tilespmem:$0x16410] =	vst v63  }
0x71: {  	_ =	swait.ge @!p0 [sflag:s0], $0x4000  }
0x72: {  	s1 =	simm.s32 @!p0 $0x400;
	[sflag:s0] =	ssyncset.done @!p0 $0x0  }
0x73: {  	s3 =	simm.s32 @!p0 $0x80;
	s5 =	simm.s32 @!p0 $0x6410;
	[sflag:s0] =	ssyncadd.s32 @!p0 $0xFFFFC000  }
0x74: {  	[tilespmem:s5], [sflag:$0x1] =	stream.indirect.gather @!p0 [hbm4b:s4+s3], $0x40, s1, s3, $0xb8;
	[tilespmem:$0x16410] =	vst v63  }
0x75: {  	s0 =	simm.s32 @!p0 $0x480;
	s1 =	simm.s32 @!p0 $0x8410  }
0x76: {  	[tilespmem:s1], [sflag:$0x1] =	stream.indirect.gather @!p0 [hbm4b:s4+s3], $0x40, s0, s3, $0xb8;
	[tilespmem:$0x16410] =	vst v63  }
0x77: {  	s30 =	simm.s32 $0x1000;
	_ =	swait.ge [sflag:s22], $0x2000  }
0x78: {  	p6 =	por $0x0, $0x0;
	s31 =	sadd.s32 $0x2000, s9;
	[sflag:s22] =	ssyncset.done $0x0  }
0x79: {  	s29 =	sadd.s32 $0x2000, s15;
	s8 =	smov.u32 s15;
	[sflag:s22] =	ssyncadd.s32 $0xFFFFE000  }
0x7a: {  	s11 =	simm.s32 $0x2000;
	p0 =	por p6, p6;
	_ =	swait.ge [sflag:s22], $0x2000  }
0x7b: {  	s1 =	sadd.s32 $0x2000, s10;
	s0 =	sadd.s32 $0x2000, s7;
	[sflag:s22] =	ssyncset.done $0x0  }
.LBB2_4:
0x7c: {  	s6 =	simm.s32 @!p0 $0x6;
	[sflag:s22] =	ssyncadd.s32 $0xFFFFE000  }
0x7d: {  	[hbm4b:s8+s2] =	stream.linear.scatter [tilespmem:s20], [sflag:$0x8], $0x4000, $0x38;
	[tilespmem:$0x16410] =	vst v63  }
0x7e: {  	_ =	swait.ge @!p0 [sflag:s6], $0x4000  }
0x7f: {  	s5 =	sshra.s32 s30, $0x2;
	[sflag:s6] =	ssyncset.done @!p0 $0x0  }
0x80: {  	s8 =	sadd.s32 $0x100, s5;
	[sflag:s6] =	ssyncadd.s32 @!p0 $0xFFFFC000  }
0x81: {  	[tilespmem:s16], [sflag:$0x2] =	stream.indirect.gather [hbm4b:s4+s13], $0x40, s8, s13, $0xb8;
	[tilespmem:$0x16410] =	vst v63  }
0x82: {  	s24 =	sadd.s32 $0x180, s5;
	s23 =	rddreg [dreg:$0x3]  }
0x83: {  	[tilespmem:s23], [sflag:$0x2] =	stream.indirect.gather [hbm4b:s4+s13], $0x40, s24, s13, $0xb8;
	[tilespmem:$0x16410] =	vst v63  }
0x84: {  	_ =	swait.ge [sflag:s17], $0x2000  }
0x85: {  	[sflag:s17] =	ssyncset.done $0x0  }
0x86: {  	[sflag:s17] =	ssyncadd.s32 $0xFFFFE000  }
0x87: {  	_ =	swait.ge [sflag:s17], $0x2000  }
0x88: {  	[sflag:s17] =	ssyncset.done $0x0  }
0x89: {  	s6 =	simm.s32 @!p0 $0x7;
	[sflag:s17] =	ssyncadd.s32 $0xFFFFE000  }
0x8a: {  	[hbm4b:s0+s2] =	stream.linear.scatter [tilespmem:s14], [sflag:$0x5], $0x4000, $0x38;
	[tilespmem:$0x16410] =	vst v63  }
0x8b: {  	_ =	swait.ge @!p0 [sflag:s6], $0x4000  }
0x8c: {  	[sflag:s6] =	ssyncset.done @!p0 $0x0  }
0x8d: {  	s24 =	sadd.s32 $0x200, s5;
	[sflag:s6] =	ssyncadd.s32 @!p0 $0xFFFFC000  }
0x8e: {  	[tilespmem:s18], [sflag:$0x3] =	stream.indirect.gather [hbm4b:s4+s13], $0x40, s24, s13, $0xb8;
	[tilespmem:$0x16410] =	vst v63  }
0x8f: {  	s23 =	rddreg [dreg:$0x4];
	s24 =	sadd.s32 $0x280, s5  }
0x90: {  	[tilespmem:s23], [sflag:$0x3] =	stream.indirect.gather [hbm4b:s4+s13], $0x40, s24, s13, $0xb8;
	[tilespmem:$0x16410] =	vst v63  }
0x91: {  	_ =	swait.ge [sflag:s19], $0x2000  }
0x92: {  	[sflag:s19] =	ssyncset.done $0x0  }
0x93: {  	[sflag:s19] =	ssyncadd.s32 $0xFFFFE000  }
0x94: {  	_ =	swait.ge [sflag:s19], $0x2000  }
0x95: {  	[sflag:s19] =	ssyncset.done $0x0  }
0x96: {  	s6 =	simm.s32 @!p0 $0x8;
	[sflag:s19] =	ssyncadd.s32 $0xFFFFE000  }
0x97: {  	[hbm4b:s1+s2] =	stream.linear.scatter [tilespmem:s16], [sflag:$0x6], $0x4000, $0x38;
	[tilespmem:$0x16410] =	vst v63  }
0x98: {  	_ =	swait.ge @!p0 [sflag:s6], $0x4000  }
0x99: {  	[sflag:s6] =	ssyncset.done @!p0 $0x0  }
0x9a: {  	s23 =	sadd.s32 $0x300, s5;
	[sflag:s6] =	ssyncadd.s32 @!p0 $0xFFFFC000  }
0x9b: {  	[tilespmem:s20], [sflag:$0x4] =	stream.indirect.gather [hbm4b:s4+s13], $0x40, s23, s13, $0xb8;
	[tilespmem:$0x16410] =	vst v63  }
0x9c: {  	s5 =	sadd.s32 $0x380, s5;
	s24 =	rddreg [dreg:$0x5]  }
0x9d: {  	[tilespmem:s24], [sflag:$0x4] =	stream.indirect.gather [hbm4b:s4+s13], $0x40, s5, s13, $0xb8;
	[tilespmem:$0x16410] =	vst v63  }
0x9e: {  	_ =	swait.ge [sflag:s21], $0x2000  }
0x9f: {  	[sflag:s21] =	ssyncset.done $0x0  }
0xa0: {  	[sflag:s21] =	ssyncadd.s32 $0xFFFFE000  }
0xa1: {  	p2 =	seq.s32 s11, $0x0;
	_ =	swait.ge [sflag:s21], $0x2000  }
0xa2: {  	p0 =	por p2, p2;
	p2 =	seq.s32 s30, $0x18000;
	[sflag:s21] =	ssyncset.done $0x0  }
0xa3: {  	s3 =	smov.u32 s11;
	s5 =	simm.s32 @!p2 $0x5;
	[sflag:s21] =	ssyncadd.s32 $0xFFFFE000  }
0xa4: {  	[hbm4b:s31+s2] =	stream.linear.scatter [tilespmem:s18], [sflag:$0x7], $0x4000, $0x38;
	[tilespmem:$0x16410] =	vst v63  }
0xa5: {  	s11 =	sadd.s32 $0x1000, s11;
	s6 =	sshra.s32 @!p2 s30, $0x2;
	_ =	swait.ge @!p2 [sflag:s5], $0x4000  }
0xa6: {  	s30 =	smov.u32 s3;
	s23 =	simm.s32 @!p2 $0x80;
	[sflag:s5] =	ssyncset.done @!p2 $0x0  }
0xa7: {  	s3 =	sadd.s32 @!p2 $0x400, s6;
	s24 =	simm.s32 @!p2 $0x6410;
	[sflag:s5] =	ssyncadd.s32 @!p2 $0xFFFFC000  }
0xa8: {  	[tilespmem:s24], [sflag:$0x1] =	stream.indirect.gather @!p2 [hbm4b:s4+s23], $0x40, s3, s23, $0xb8;
	[tilespmem:$0x16410] =	vst v63  }
0xa9: {  	p1 =	sne.s32 s11, $0x19000;
	s6 =	sadd.s32 @!p2 $0x480, s6;
	s5 =	simm.s32 @!p2 $0x8410  }
0xaa: {  	[tilespmem:s5], [sflag:$0x1] =	stream.indirect.gather @!p2 [hbm4b:s4+s23], $0x40, s6, s23, $0xb8;
	[tilespmem:$0x16410] =	vst v63  }
.Ltmp1:
0xab: {  	_ =	swait.ge [sflag:s22], $0x2000;
	(pc) =	sbr.rel @p1 .LBB2_4-.Ltmp1, $4  }
0xac: {  	[sflag:s22] =	ssyncset.done $0x0  }
0xad: {  	s8 =	smov.u32 s29;
	[sflag:s22] =	ssyncadd.s32 $0xFFFFE000  }
0xae: {  	s29 =	sadd.s32 $0x2000, s29;
	s0 =	sadd.s32 $0x2000, s0;
	_ =	swait.ge [sflag:s22], $0x2000  }
0xaf: {  	s1 =	sadd.s32 $0x2000, s1;
	s31 =	sadd.s32 $0x2000, s31;
	[sflag:s22] =	ssyncset.done $0x0  }
0xb0: {  	s3 =	simm.s32 @!p0 $0x6;
	[sflag:s22] =	ssyncadd.s32 $0xFFFFE000  }
0xb1: {  	[hbm4b:s8+s2] =	stream.linear.scatter [tilespmem:s20], [sflag:$0x8], $0x4000, $0x38;
	[tilespmem:$0x16410] =	vst v63  }
0xb2: {  	_ =	swait.ge @!p0 [sflag:s3], $0x4000  }
0xb3: {  	s5 =	sshra.s32 s30, $0x2;
	[sflag:s3] =	ssyncset.done @!p0 $0x0  }
0xb4: {  	s23 =	sadd.s32 $0x100, s5;
	[sflag:s3] =	ssyncadd.s32 @!p0 $0xFFFFC000  }
0xb5: {  	[tilespmem:s16], [sflag:$0x2] =	stream.indirect.gather [hbm4b:s4+s13], $0x40, s23, s13, $0xb8;
	[tilespmem:$0x16410] =	vst v63  }
0xb6: {  	s24 =	sadd.s32 $0x180, s5;
	s6 =	rddreg [dreg:$0x3]  }
0xb7: {  	[tilespmem:s6], [sflag:$0x2] =	stream.indirect.gather [hbm4b:s4+s13], $0x40, s24, s13, $0xb8;
	[tilespmem:$0x16410] =	vst v63  }
0xb8: {  	_ =	swait.ge [sflag:s17], $0x2000  }
0xb9: {  	[sflag:s17] =	ssyncset.done $0x0  }
0xba: {  	[sflag:s17] =	ssyncadd.s32 $0xFFFFE000  }
0xbb: {  	_ =	swait.ge [sflag:s17], $0x2000  }
0xbc: {  	[sflag:s17] =	ssyncset.done $0x0  }
0xbd: {  	s3 =	simm.s32 @!p0 $0x7;
	[sflag:s17] =	ssyncadd.s32 $0xFFFFE000  }
0xbe: {  	[hbm4b:s0+s2] =	stream.linear.scatter [tilespmem:s14], [sflag:$0x5], $0x4000, $0x38;
	[tilespmem:$0x16410] =	vst v63  }
0xbf: {  	_ =	swait.ge @!p0 [sflag:s3], $0x4000  }
0xc0: {  	[sflag:s3] =	ssyncset.done @!p0 $0x0  }
0xc1: {  	[sflag:s3] =	ssyncadd.s32 @!p0 $0xFFFFC000;
	s3 =	sadd.s32 $0x200, s5  }
0xc2: {  	[tilespmem:s18], [sflag:$0x3] =	stream.indirect.gather [hbm4b:s4+s13], $0x40, s3, s13, $0xb8;
	[tilespmem:$0x16410] =	vst v63  }
0xc3: {  	s8 =	sadd.s32 $0x280, s5;
	s6 =	rddreg [dreg:$0x4]  }
0xc4: {  	[tilespmem:s6], [sflag:$0x3] =	stream.indirect.gather [hbm4b:s4+s13], $0x40, s8, s13, $0xb8;
	[tilespmem:$0x16410] =	vst v63  }
0xc5: {  	_ =	swait.ge [sflag:s19], $0x2000  }
0xc6: {  	[sflag:s19] =	ssyncset.done $0x0  }
0xc7: {  	[sflag:s19] =	ssyncadd.s32 $0xFFFFE000  }
0xc8: {  	_ =	swait.ge [sflag:s19], $0x2000  }
0xc9: {  	[sflag:s19] =	ssyncset.done $0x0  }
0xca: {  	s0 =	simm.s32 @!p0 $0x8;
	[sflag:s19] =	ssyncadd.s32 $0xFFFFE000  }
0xcb: {  	[hbm4b:s1+s2] =	stream.linear.scatter [tilespmem:s16], [sflag:$0x6], $0x4000, $0x38;
	[tilespmem:$0x16410] =	vst v63  }
0xcc: {  	_ =	swait.ge @!p0 [sflag:s0], $0x4000  }
0xcd: {  	[sflag:s0] =	ssyncset.done @!p0 $0x0  }
0xce: {  	s11 =	sadd.s32 $0x300, s5;
	[sflag:s0] =	ssyncadd.s32 @!p0 $0xFFFFC000  }
0xcf: {  	[tilespmem:s20], [sflag:$0x4] =	stream.indirect.gather [hbm4b:s4+s13], $0x40, s11, s13, $0xb8;
	[tilespmem:$0x16410] =	vst v63  }
0xd0: {  	s24 =	sadd.s32 $0x380, s5;
	s23 =	rddreg [dreg:$0x5]  }
0xd1: {  	[tilespmem:s23], [sflag:$0x4] =	stream.indirect.gather [hbm4b:s4+s13], $0x40, s24, s13, $0xb8;
	[tilespmem:$0x16410] =	vst v63  }
0xd2: {  	_ =	swait.ge [sflag:s21], $0x2000  }
0xd3: {  	[sflag:s21] =	ssyncset.done $0x0  }
0xd4: {  	[sflag:s21] =	ssyncadd.s32 $0xFFFFE000  }
0xd5: {  	_ =	swait.ge [sflag:s21], $0x2000  }
0xd6: {  	p0 =	seq.s32 s30, $0x18000;
	[sflag:s21] =	ssyncset.done $0x0  }
0xd7: {  	s0 =	simm.s32 @!p0 $0x5;
	[sflag:s21] =	ssyncadd.s32 $0xFFFFE000  }
0xd8: {  	[hbm4b:s31+s2] =	stream.linear.scatter [tilespmem:s18], [sflag:$0x7], $0x4000, $0x38;
	[tilespmem:$0x16410] =	vst v63  }
0xd9: {  	_ =	swait.ge @!p0 [sflag:s0], $0x4000  }
0xda: {  	s1 =	sshra.s32 @!p0 s30, $0x2;
	s5 =	simm.s32 @!p0 $0x80;
	[sflag:s0] =	ssyncset.done @!p0 $0x0  }
0xdb: {  	s6 =	simm.s32 @!p0 $0x6410;
	s3 =	sadd.s32 @!p0 $0x400, s1;
	[sflag:s0] =	ssyncadd.s32 @!p0 $0xFFFFC000  }
0xdc: {  	[tilespmem:s6], [sflag:$0x1] =	stream.indirect.gather @!p0 [hbm4b:s4+s5], $0x40, s3, s5, $0xb8;
	[tilespmem:$0x16410] =	vst v63  }
0xdd: {  	s0 =	sadd.s32 @!p0 $0x480, s1;
	s1 =	simm.s32 @!p0 $0x8410  }
0xde: {  	[tilespmem:s1], [sflag:$0x1] =	stream.indirect.gather @!p0 [hbm4b:s4+s5], $0x40, s0, s5, $0xb8;
	[tilespmem:$0x16410] =	vst v63  }
0xdf: {  	_ =	swait.ge [sflag:s22], $0x2000  }
0xe0: {  	[sflag:s22] =	ssyncset.done $0x0  }
0xe1: {  	[sflag:s22] =	ssyncadd.s32 $0xFFFFE000  }
0xe2: {  	_ =	swait.ge [sflag:s22], $0x2000  }
0xe3: {  	[sflag:s22] =	ssyncset.done $0x0  }
0xe4: {  	[sflag:s22] =	ssyncadd.s32 $0xFFFFE000  }
0xe5: {  	[hbm4b:s29+s2] =	stream.linear.scatter [tilespmem:s20], [sflag:$0x8], $0x4000, $0x38;
	[tilespmem:$0x16410] =	vst v63  }
0xe6: {  	s29 =	simm.s32 $0x5  }
0xe7: {  	_ =	swait.ge [sflag:s29], $0x4000  }
0xe8: {  	[sflag:s29] =	ssyncset.done $0x0  }
0xe9: {  	s30 =	simm.s32 $0x6;
	[sflag:s29] =	ssyncadd.s32 $0xFFFFC000  }
0xea: {  	_ =	swait.ge [sflag:s30], $0x4000  }
0xeb: {  	[sflag:s30] =	ssyncset.done $0x0  }
0xec: {  	[sflag:s30] =	ssyncadd.s32 $0xFFFFC000  }
0xed: {  	_ =	swait.ge [sflag:s25], $0x4000  }
0xee: {  	[sflag:s25] =	ssyncset.done $0x0  }
0xef: {  	[sflag:s25] =	ssyncadd.s32 $0xFFFFC000  }
0xf0: {  	_ =	swait.ge [sflag:s26], $0x4000  }
0xf1: {  	s28 =	sadd.s32 $0x1, s28;
	s31 =	rddreg [dreg:$0x8]  }
0xf2: {  	p0 =	sne.s32 s28, s31  }
.Ltmp2:
0xf3: {  	_ = 	snop;
	(pc) =	sbr.rel @p0 .LBB2_1-.Ltmp2, $3  }
0xf4: {  	_ =	sdelay $0x1  }
0xf5: {  	[sflag:s26] =	ssyncset.done $0x0  }
0xf6: {  	[sflag:s26] =	ssyncadd.s32 $0xFFFFC000  }
0xf7: {  	_ =	sfence.sel $0x180000  }
0xf8: {  	[bflag:$0x0] =	sbarrier.arrive $0xFFFF  }
0xf9: {  	_ =	strace $0x90000047  }
0xfa: {  	s0 =	stileid.u32;
	[bflag:$0x2] =	sbarrier.arrive $0xFFFF  }
0xfb: {  	p0 =	sne.s32 s0, $0x0;
	s0 =	rddreg [dreg:$0x2]  }
0xfc: {  	s0 =	sadd.s32 @!p0 $0x100000, s0  }
0xfd: {  	[sflag:s0] =	ssyncadd.tile.s32 @!p0 $0x1;
	_ =	shalt  }
.Lfunc_end2:
_tile_overlayer_lowered:
.L_overlay_start_2:
0xfe: {  	(tag) =	ssettag $0x2  }
0xff: {  	s0 =	rddreg [dreg:$0x0];
	s2 =	stileid.u32  }
0x100: {  	s1 =	rddreg [dreg:$0x1];
	p0 =	sne.s32 s2, $0x0  }
0x101: {  	s3 =	rddreg [dreg:$0x2];
	[bflag:$0x3] =	sbarrier.arrive $0xFFFF;
	s2 =	simm.s32 @!p0 $0x1C09  }
0x102: {  	[timem:s3], [sflag:s2] =	dma.local @!p0 [hbm:s0], s1  }
0x103: {  	s0 =	simm.s32 @!p0 $0x9  }
0x104: {  	_ =	swait.ge @!p0 [sflag:s0], s1  }
0x105: {  	s1 =	ssub.s32 @!p0 $0x0, s1;
	[sflag:s0] =	ssyncset.done @!p0 $0x0  }
0x106: {  	[sflag:s0] =	ssyncadd.s32 @!p0 s1  }
0x107: {  	[bflag:$0x3] =	sbarrier.arrive $0xFFFF  }
0x108: {  	_ =	shalt  }

// kernel: sparse-core-data-format-call.cloned.1.call-start
scs
called_computation_lowered:
.L_overlay_start_0:
0x0: {  	s2 =	sld [smem:$0x3FD9]  }
0x1: {  	s3 =	sld [smem:$0x3FFE];
	_ =	sdelay $0x1  }
0x2: {  	s1 =	srdreg.scid  }
0x3: {  	s0 =	sand.u32 $0x1, s1  }
0x4: {  	s18 =	sshll.u32 s0, $0xA;
	s2 =	sadd.s32 s3, s2  }
0x5: {  	s2 =	sadd.s32 s2, s18  }
0x6: {  	[smem:$0x3FC5] =	sst s2  }
0x7: {  	_ = 	snop  }
0x8: {  	s2 =	sld [smem:$0x3FD0];
	(tm) =	ssettm $0x1  }
0x9: {  	s19 =	sld [smem:$0x3FFB];
	_ =	sdelay $0x3  }
0xa: {  	_ =	strace s19  }
0xb: {  	s3 =	sld [smem:$0x3FFC];
	_ =	sdelay $0x3  }
0xc: {  	_ =	strace s3  }
0xd: {  	s3 =	sld [smem:$0x3FFD];
	_ =	sdelay $0x3  }
0xe: {  	_ =	strace s3  }
0xf: {  	_ =	strace $0x8FFFFFFF  }
0x10: {  	s20 =	sld [smem:$0x3FDB];
	_ =	sdelay $0x1  }
0x11: {  	s4 =	simm.s32 $_scs_section_size  }
0x12: {  	s5 =	simm.s32 $_size__tile_overlayer_lowered;
	s6 =	simm.s32 $_tile_overlayer_lowered  }
0x13: {  	s23 =	simm.s32 $0x1BFF;
	s22 =	sshll.u32 s6, $0x1;
	s3 =	sadd.s32 s4, s20  }
0x14: {  	s7 =	simm.s32 $0x0;
	s21 =	sshll.u32 s5, $0x1;
	s5 =	sadd.s32 s22, s3  }
0x15: {  	[timem:s7], [sflag:s23] =	dma.local [hbm:s5], s21  }
0x16: {  	_ =	swait.ge [sflag:s23], s21  }
0x17: {  	s4 =	ssub.s32 $0x0, s21;
	[sflag:s23] =	ssyncset.done $0x0  }
0x18: {  	[sflag:s23] =	ssyncadd.s32 s4;
	_ =	sdelay $0x1  }
0x19: {  	s24 =	simm.s32 $0x1B8B  }
0x1a: {  	_ =	swait.ge [sflag:s24], $0x1  }
0x1b: {  	[sflag:s24] =	ssyncset.done $0x0  }
0x1c: {  	s26 =	simm.s32 $0x1B8E;
	s25 =	sld [smem:$0x3FFE];
	[sflag:s24] =	ssyncadd.s32 $0xFFFFFFFF  }
0x1d: {  	s27 =	simm.s32 $execute0_lowered;
	[smem:$0x3FD2] =	sst s26  }
0x1e: {  	s5 =	sshll.u32 s27, $0x1;
	_ =	strace $0x80000049;
	[dreg:$0x1] =	wrdreg $0xFFFFFFFF  }
0x1f: {  	s28 =	simm.s32 $_size_execute0_lowered;
	s3 =	sadd.s32 s3, s5;
	[dreg:$0x0] =	wrdreg $0x0  }
0x20: {  	s5 =	sshll.u32 s28, $0x1;
	[dreg:$0x2] =	wrdreg s3  }
0x21: {  	[dreg:$0x3] =	wrdreg s5  }
0x22: {  	[dreg:$0x4] =	wrdreg $0xC0  }
0x23: {  	_ =	task [dreg:s7], $0x5FFFF  }
0x24: {  	[dreg:$0x1] =	wrdreg $0xFFFFFFFF  }
0x25: {  	[dreg:$0x0] =	wrdreg $0x60  }
0x26: {  	[dreg:$0x2] =	wrdreg s25  }
0x27: {  	[dreg:$0x3] =	wrdreg s2  }
0x28: {  	[dreg:$0x4] =	wrdreg $0x9  }
0x29: {  	_ =	task.clear_ibuf [dreg:s7], $0x5FFFF;
	_ =	strace $0x90000049  }
0x2a: {  	s29 =	simm.s32 $0x9;
	_ =	strace $0x8000004B  }
0x2b: {  	_ =	swait.ge [sflag:s29], $0x1  }
0x2c: {  	[sflag:s29] =	ssyncadd.s32 $0xFFFFFFFF  }
0x2d: {  	_ =	strace $0x9000004B  }
0x2e: {  	_ =	sfence  }
0x2f: {  	s30 =	sld [smem:$0x0];
	_ =	sdelay $0x2  }
0x30: {  	s31 =	sshll.u32 s1, $0xD;
	s1 =	sshrl.u32 s1, $0x2  }
0x31: {  	s3 =	sand.u32 $0x4000, s31;
	s1 =	sadd.s32 s1, s30  }
0x32: {  	s0 =	sor.u32 s3, s0;
	s1 =	sshll.u32 s1, $0x11  }
0x33: {  	s0 =	sor.u32 s1, s0  }
0x34: {  	s0 =	sadd.s32 $0x8F2B, s0  }
0x35: {  	[sflag:s0] =	ssyncadd.remote.s32 $0x1  }
0x36: {  	_ =	sfence.sel $0xFFFF  }
0x37: {  	[dreg:$0x0] =	wrdreg $0xFFFFFFFF;
	(pc) =	sbr.abs _section_cstart, $3  }
0x38: {  	[dreg:$0x1] =	wrdreg $0xFFFFFFFF  }
0x39: {  	_ =	task.clear_ibuf [dreg:s7], $0x2FFFF;
	_ =	strace $0x9FFFFFFF  }
0x3a: {  	(tm) =	ssettm $0x7FFFFFFF  }
0x3b: {  	_ =	shalt  }
tec
execute0_lowered:
.L_overlay_start_1:
0x0: {  	(tag) =	ssettag $0x1  }
0x1: {  	s0 =	srdreg.scid  }
0x2: {  	s1 =	sshll.u32 s0, $0x4  }
0x3: {  	s0 =	stileid.u32;
	s1 =	sand.u32 $0x10, s1  }
0x4: {  	s1 =	sor.u32 s0, s1  }
0x5: {  	s6 =	rddreg [dreg:$0x0];
	s4 =	simm.s32 $0x1;
	s2 =	sshll.u32 s1, $0x7  }
0x6: {  	s7 =	simm.s32 $0x2;
	s12 =	simm.s32 $0x0;
	s1 =	ssub.s32 $0x1000, s2  }
0x7: {  	s8 =	simm.s32 $0x8000;
	s13 =	simm.s32 $0x0;
	s3 =	sand.u32 $0xF80, s1  }
0x8: {  	s9 =	simm.s32 $0x0;
	s5 =	sshrl.u32 s1, $0xC;
	p0 =	sne.s32 s3, $0x0  }
.Ltmp0:
0x9: {  	s1 =	rddreg [dreg:$0x2];
	s4 =	simm.s32 @!p0 $0x0;
	(pc) =	sbr.rel .LBB1_1-.Ltmp0, $4  }
0xa: {  	s11 =	simm.s32 $0x0;
	s3 =	rddreg [dreg:$0x1];
	s5 =	sadd.s32 s4, s5  }
0xb: {  	_ =	strace $0x8000004A;
	s4 =	simm.s32 $0x1;
	s5 =	smul.u32 $0xC8, s5  }
0xc: {  	s6 =	sadd.s32 $0xA00, s6;
	s10 =	smov.u32 s2;
	[sflag:s4] =	ssyncpa.u1 $0x0  }
0xd: {  	p0 =	por $0x0, $0x0;
	[sflag:s7] =	ssyncpa.u1 $0x0;
	s7 =	sor.u32 $0x1, s5  }
.LBB1_4:
0xe: {  	s16 =	sshll.u32 s13, $0x3;
	s17 =	sand.u32 $0x78, s13  }
0xf: {  	s30 =	sand.u32 $0x7E00, s13;
	s12 =	sshll.u32 s12, $0xF;
	s16 =	sand.u32 $0xC00, s16  }
0x10: {  	[tilespmem:s15+$0x810 ss:$0x81] =	vst.msk $0xffff, v2;
	s31 =	sand.u32 $0x7, s13;
	s16 =	sor.u32 s17, s16;
	s17 =	sadd.s32 s3, s30  }
0x11: {  	[tilespmem:s15+$0x1020 ss:$0x81] =	vst.msk $0xffff, v0;
	s13 =	sshll.u32 s31, $0x12;
	s12 =	sadd.s32 s12, s17;
	s16 =	sshrl.u32 s16, $0x3  }
0x12: {  	[tilespmem:s15+$0x0 ss:$0x81] =	vst.msk $0xffff, v1;
	s13 =	sor.u32 $0x400, s13;
	s12 =	sadd.s32 s16, s12  }
0x13: {  	[hbm4b:s12+s13] =	stream.strided.scatter [tilespmem:s14], [sflag:$0x2], $0x2000, s8, s13, $0x20;
	[tilespmem:$0x8080] =	vst v63  }
.LBB1_5:
0x14: {  	s14 =	sadd.s32 $0x1, s9  }
0x15: {  	s12 =	sadd.s32 $0x1000, s10;
	s16 =	smov.u32 s10;
	p2 =	sgt.s32 s14, $0xC7  }
0x16: {  	s16 =	smov.u32 @p2 s12  }
0x17: {  	s14 =	simm.s32 @p2 $0x0;
	p2 =	sgt.s32 s16, $0xFFF  }
0x18: {  	s16 =	smov.u32 @p2 s2;
	p2 =	sne.s32 s11, s7  }
.Ltmp1:
0x19: {  	p1 =	slt.u32 s11, $0x2;
	(pc) =	sbr.rel @!p2 .LBB1_6-.Ltmp1, $4  }
0x1a: {  	s15 =	simm.s32 @!p1 $0x2  }
0x1b: {  	s13 =	smov.u32 s10;
	p0 =	por !p0, !p0;
	_ =	swait.ge @!p1 [sflag:s15], $0x2000  }
0x1c: {  	s12 =	smov.u32 s9;
	[sflag:s15] =	ssyncset.done @!p1 $0x0;
	s9 =	smov.u32 s14  }
0x1d: {  	s11 =	sadd.s32 $0x1, s11;
	[sflag:s15] =	ssyncadd.s32 @!p1 $0xFFFFE000;
	s10 =	smov.u32 s16  }
.LBB1_1:
0x1e: {  	p1 =	sge.u32 s11, s5  }
0x1f: {  	s14 =	sand.u32 @!p1 $0x1FFFFFF, s9  }
0x20: {  	s15 =	smulhi.u32 @!p1 $0x147AE15, s14;
	_ =	sdelay $0x1  }
0x21: {  	s15 =	smul.u32 @!p1 $0xC8, s15  }
0x22: {  	s16 =	sxor.u32 @!p1 $0xFFFFFFFF, s11;
	s17 =	smul.u32 @!p1 $0xC80, s10  }
0x23: {  	s31 =	sadd.s32 $0xFFFFFFFF, s11;
	s16 =	sshll.u32 @!p1 s16, $0xD;
	s14 =	ssub.s32 @!p1 s14, s15  }
0x24: {  	s15 =	sand.u32 @!p1 $0x2000, s16;
	s16 =	sadd.s32 @!p1 s6, s17;
	s14 =	sshll.u32 @!p1 s14, $0x4  }
0x25: {  	s17 =	simm.s32 @!p1 $0x6400;
	s14 =	sadd.s32 @!p1 s14, s16;
	s16 =	simm.s32 @!p1 $0x40  }
0x26: {  	[tilespmem:s15], [sflag:$0x1] =	stream.strided.gather @!p1 [hbm4b:s14+s16], $0x2000, s17, s16, $0x38;
	[tilespmem:$0x8080] =	vst v63  }
0x27: {  	p1 =	sge.u32 s31, s5  }
.Ltmp2:
0x28: {  	_ = 	snop;
	(pc) =	sbr.rel @p1 .LBB1_5-.Ltmp2, $1  }
0x29: {  	_ =	sdelay $0x3  }
0x2a: {  	s14 =	simm.s32 $0x1  }
0x2b: {  	_ =	swait.ge [sflag:s4], $0x2000;
	s14 =	simm.s32 @!p0 $0x0  }
0x2c: {  	[sflag:s4] =	ssyncset.done $0x0;
	s15 =	sshll.u32 s14, $0xD  }
0x2d: {  	[sflag:s4] =	ssyncadd.s32 $0xFFFFE000;
	s18 =	sor.u32 $0x20, s15  }
0x2e: {  	s14 =	smul.u32 $0x8100, s14;
	v3 =	vld [tilespmem:s18+$0x10]  }
0x2f: {  	s30 =	sand.u32 $0x1, s11;
	v2 =	vld [tilespmem:s18+$0xFFFFFFF0]  }
0x30: {  	s15 =	smul.u32 $0x8100, s30;
	s14 =	sshrl.u32 s14, $0x2;
	v0 =	vld [tilespmem:s18+$0x0]  }
0x31: {  	v1 =	vld [tilespmem:s18+$0xFFFFFFE0];
	s16 =	sor.u32 $0x4000, s14  }
0x32: {  	s31 =	sshrl.u32 s15, $0x2;
	s15 =	sadd.s32 $0x0, s16  }
0x33: {  	s17 =	simm.s32 $0x4;
	s18 =	sadd.s32 $0x40, s18;
	s14 =	sor.u32 $0x4000, s31;
	[tilespmem:s15+$0x1830 ss:$0x81] =	vst.msk $0xffff, v3  }
.LBB1_3:
0x34: {  	v3 =	vld [tilespmem:s18+$0x10];
	p1 =	sne.s32 s17, $0x1FC;
	[tilespmem:s15+$0x810 ss:$0x81] =	vst.msk $0xffff, v2;
	s19 =	smov.u32 s17;
	s17 =	sadd.s32 $0x4, s17  }
.Ltmp3:
0x35: {  	v2 =	vld [tilespmem:s18+$0xFFFFFFF0];
	[tilespmem:s15+$0x1020 ss:$0x81] =	vst.msk $0xffff, v0;
	(pc) =	sbr.rel @p1 .LBB1_3-.Ltmp3, $4  }
0x36: {  	v0 =	vld [tilespmem:s18+$0x0];
	[tilespmem:s15+$0x0 ss:$0x81] =	vst.msk $0xffff, v1  }
0x37: {  	s15 =	sshra.s32 s19, $0x2;
	v1 =	vld [tilespmem:s18+$0xFFFFFFE0]  }
0x38: {  	s15 =	sadd.s32 s15, s16  }
0x39: {  	s18 =	sadd.s32 $0x40, s18;
	[tilespmem:s15+$0x1830 ss:$0x81] =	vst.msk $0xffff, v3  }
.Ltmp4:
0x3a: {  	_ = 	snop;
	(pc) =	sbr.rel .LBB1_4-.Ltmp4, $1  }
0x3b: {  	_ =	sdelay $0x3  }
.LBB1_6:
0x3c: {  	_ =	sfence.sel $0x180000  }
0x3d: {  	s2 =	simm.s32 $0x1;
	[bflag:$0x0] =	sbarrier.arrive $0xFFFF  }
0x3e: {  	s31 =	simm.s32 $0x2;
	[sflag:s2] =	ssyncpa.u1 $0x1  }
0x3f: {  	[sflag:s31] =	ssyncpa.u1 $0x1  }
0x40: {  	p0 =	sne.s32 s0, $0x0;
	_ =	strace $0x9000004A  }
0x41: {  	s0 =	sadd.s32 @!p0 $0x100000, s1;
	[bflag:$0x2] =	sbarrier.arrive $0xFFFF  }
0x42: {  	[sflag:s0] =	ssyncadd.tile.s32 @!p0 $0x1;
	_ =	shalt  }
.Lfunc_end1:
_tile_overlayer_lowered:
.L_overlay_start_2:
0x43: {  	(tag) =	ssettag $0x2  }
0x44: {  	s0 =	rddreg [dreg:$0x0];
	s2 =	stileid.u32  }
0x45: {  	s1 =	rddreg [dreg:$0x1];
	p0 =	sne.s32 s2, $0x0  }
0x46: {  	s3 =	rddreg [dreg:$0x2];
	[bflag:$0x3] =	sbarrier.arrive $0xFFFF;
	s2 =	simm.s32 @!p0 $0x1C01  }
0x47: {  	[timem:s3], [sflag:s2] =	dma.local @!p0 [hbm:s0], s1  }
0x48: {  	s0 =	simm.s32 @!p0 $0x1  }
0x49: {  	_ =	swait.ge @!p0 [sflag:s0], s1  }
0x4a: {  	s1 =	ssub.s32 @!p0 $0x0, s1;
	[sflag:s0] =	ssyncset.done @!p0 $0x0  }
0x4b: {  	[sflag:s0] =	ssyncadd.s32 @!p0 s1  }
0x4c: {  	[bflag:$0x3] =	sbarrier.arrive $0xFFFF  }
0x4d: {  	_ =	shalt  }

</sc_bundles>
